<compile_context>
chip_gen: v7x
topology: tpu7x:2x2x1
jax: 0.10.2.dev20260603
libtpu: 0.0.44.dev20260713+nightly
codegen_flags: <defaults>
</compile_context>

<pallas_src>
import functools

import jax
import jax.numpy as jnp
from jax import lax
from jax.experimental import pallas as pl
from jax.experimental.pallas import tpu as pltpu
from jax.experimental.pallas import tpu_sc as plsc

NC = 2
NS = 16
NW = NC * NS
CHUNK = 128
NSUB = 4
SUP = CHUNK * NSUB
PAD = 128


@functools.lru_cache(maxsize=None)
def _build(V, D, B):
    b_per_w = B // NW
    nch = b_per_w // CHUNK
    nsup = b_per_w // SUP
    mesh = plsc.VectorSubcoreMesh(core_axis_name="c", subcore_axis_name="s")

    @functools.partial(
        pl.kernel,
        mesh=mesh,
        compiler_params=pltpu.CompilerParams(use_tc_tiling_on_sc=False),
        out_type=jax.ShapeDtypeStruct((B, PAD), jnp.float32),
        scratch_types=[
            pltpu.VMEM((nch, CHUNK), jnp.int32),
            pltpu.VMEM((3, SUP, D), jnp.float32),
            pltpu.SemaphoreType.DMA,
            pltpu.SemaphoreType.DMA,
            pltpu.SemaphoreType.DMA,
            pltpu.SemaphoreType.DMA,
            pltpu.SemaphoreType.DMA,
            pltpu.SemaphoreType.DMA,
        ],
    )
    def emb_kernel(
        table_hbm, idx_hbm, out_hbm, idx_v, rows_v, g0, g1, g2, o0, o1, o2
    ):
        wid = lax.axis_index("s") * NC + lax.axis_index("c")
        base = wid * b_per_w
        pltpu.sync_copy(idx_hbm.at[wid], idx_v)

        def fire(s, b, gsem):
            waits = []
            for j in range(NSUB):
                cp = pltpu.async_copy(
                    table_hbm.at[idx_v.at[s * NSUB + j]],
                    rows_v.at[b, pl.ds(j * CHUNK, CHUNK), :],
                    gsem,
                )
                waits.append(cp)
            return waits

        def out_start(s, b, osem):
            pltpu.async_copy(
                rows_v.at[b],
                out_hbm.at[pl.ds(base + s * SUP, SUP), pl.ds(0, D)],
                osem,
            )

        def out_wait(b, osem):
            pltpu.make_async_copy(
                table_hbm.at[pl.ds(0, SUP), :], rows_v.at[b], osem
            ).wait()

        w0 = fire(0, 0, g0)
        w1 = fire(1, 1, g1)
        for w in w0:
            w.wait()
        out_start(0, 0, o0)
        for w in w1:
            w.wait()
        out_start(1, 1, o1)

        wa = fire(2, 2, g2)
        out_wait(0, o0)
        wb = fire(3, 0, g0)
        out_wait(1, o1)
        wc = fire(4, 1, g1)
        for w in wa:
            w.wait()
        out_start(2, 2, o2)
        for w in wb:
            w.wait()
        out_start(3, 0, o0)
        for w in wc:
            w.wait()
        out_start(4, 1, o1)

        def loop_body(k, carry):
            s0 = 3 * k + 2
            s1 = 3 * k + 3
            s2 = 3 * k + 4
            out_wait(2, o2)
            wa = fire(s0, 2, g2)
            out_wait(0, o0)
            wb = fire(s1, 0, g0)
            out_wait(1, o1)
            wc = fire(s2, 1, g1)
            for w in wa:
                w.wait()
            out_start(s0, 2, o2)
            for w in wb:
                w.wait()
            out_start(s1, 0, o0)
            for w in wc:
                w.wait()
            out_start(s2, 1, o1)
            return carry

        lax.fori_loop(1, (nsup - 2) // 3, loop_body, 0)
        out_wait(2, o2)
        out_wait(0, o0)
        out_wait(1, o1)

    return emb_kernel


def kernel(input_ids, table):
    batch, seq = input_ids.shape
    V, D = table.shape
    B = batch * seq
    idx = input_ids.astype(jnp.int32).reshape(NW, B // NW // CHUNK, CHUNK)
    out = _build(V, D, B)(table, idx)
    return out[:, :D].reshape(batch, seq, D)

# --- scband reference (transcript-rebuilt; emitter-appended) ---
"""Pipeline reference for scband-token-embedding-32263794327904 (READ-ONLY COPY).

The authoritative reference and input builder live on the scoring server;
editing this copy changes nothing except your own understanding.
"""

import jax, jax.numpy as jnp
import numpy as np

VOCAB = 1000000
HIDDEN = 64
BATCH = 4096
SEQ = 200

def setup_inputs(seed: int = 0) -> dict:
    key = jax.random.key(seed)
    k_ids, k_tab = jax.random.split(key)
    input_ids = jax.random.randint(k_ids, (BATCH, SEQ), 0, VOCAB, dtype=jnp.int64 if jax.config.jax_enable_x64 else jnp.int32)
    # learned parameter: embedding table, init normal(0, 0.1) as in torch module
    table = jax.random.normal(k_tab, (VOCAB, HIDDEN), dtype=jnp.float32) * 0.1
    return {"input_ids": input_ids, "table": table}

def reference(input_ids, table):
    # nn.Embedding lookup: gather rows of table by token id
    # dropout p=0.0 in eval -> identity
    embeddings = jnp.take(table, input_ids, axis=0)
    return embeddings

if __name__ == "__main__":
    import jax
    _d = setup_inputs()
    print(jax.jit(kernel)(*tuple(_d.values())))

</pallas_src>

<mosaic_0001>
#map = affine_map<(d0, d1) -> (0, 0)>
#map1 = affine_map<(d0, d1) -> (0, 0, 0)>
module attributes {stable_mosaic.version = 14 : i64} {
  func.func @emb_kernel(%arg0: i32, %arg1: i32, %arg2: memref<1000000x64xf32, #tpu.memory_space<hbm>>, %arg3: memref<32x200x128xi32, #tpu.memory_space<hbm>>, %arg4: memref<819200x128xf32, #tpu.memory_space<hbm>>, %arg5: memref<200x128xi32, #tpu.memory_space<vmem>>, %arg6: memref<3x512x64xf32, #tpu.memory_space<vmem>>, %arg7: memref<!tpu.dma_semaphore, #tpu.memory_space<semaphore_mem>>, %arg8: memref<!tpu.dma_semaphore, #tpu.memory_space<semaphore_mem>>, %arg9: memref<!tpu.dma_semaphore, #tpu.memory_space<semaphore_mem>>, %arg10: memref<!tpu.dma_semaphore, #tpu.memory_space<semaphore_mem>>, %arg11: memref<!tpu.dma_semaphore, #tpu.memory_space<semaphore_mem>>, %arg12: memref<!tpu.dma_semaphore, #tpu.memory_space<semaphore_mem>>) attributes {dimension_semantics = [#tpu.dimension_semantics<core_parallel>, #tpu.dimension_semantics<subcore_parallel>], iteration_bounds = array<i64: 2, 16>, scalar_prefetch = 0 : i64, scratch_operands = 8 : i64, tpu.core_type = #tpu.core_type<sc_vector_subcore>, window_params = [{transform_indices = #map}, {transform_indices = #map1}, {transform_indices = #map}]} {
    %mul3A = arith.constant 2 : i32
    %mul3A_0 = arith.muli %arg1, %mul3A : i32
    %add3A = arith.addi %mul3A_0, %arg0 : i32
    %mul3A_1 = arith.constant 25600 : i32
    %mul3A_2 = arith.muli %add3A, %mul3A_1 : i32
    "tpu.region"() ({
      %run_scoped3A = tpu.sem_alloc : memref<!tpu.dma_semaphore, #tpu.memory_space<semaphore_mem>>
      %dma_start3A_636 = arith.constant 0 : i32
      %dma_start3A_637 = arith.constant 0 : i32
      %dma_start3A_638 = tpu.memref_slice %arg3[%add3A, %dma_start3A_636, %dma_start3A_637] : memref<32x200x128xi32, #tpu.memory_space<hbm>> -> memref<1x200x128xi32, #tpu.memory_space<hbm>>
      %dma_start3A_639 = tpu.memref_squeeze %dma_start3A_638 : memref<1x200x128xi32, #tpu.memory_space<hbm>> -> memref<200x128xi32, #tpu.memory_space<hbm>>
      %dma_start3A_640 = arith.constant 0 : i32
      %dma_start3A_641 = arith.constant 0 : i32
      %dma_start3A_642 = tpu.memref_slice %arg3[%add3A, %dma_start3A_640, %dma_start3A_641] : memref<32x200x128xi32, #tpu.memory_space<hbm>> -> memref<1x200x128xi32, #tpu.memory_space<hbm>>
      %dma_start3A_643 = tpu.memref_squeeze %dma_start3A_642 : memref<1x200x128xi32, #tpu.memory_space<hbm>> -> memref<200x128xi32, #tpu.memory_space<hbm>>
      tpu.enqueue_dma source(%dma_start3A_643 : memref<200x128xi32, #tpu.memory_space<hbm>>) target(%arg5 : memref<200x128xi32, #tpu.memory_space<vmem>>) target_semaphore(%run_scoped3A : memref<!tpu.dma_semaphore, #tpu.memory_space<semaphore_mem>>)
      %dma_wait3A_644 = arith.constant 0 : i32
      %dma_wait3A_645 = arith.constant 0 : i32
      %dma_wait3A_646 = tpu.memref_slice %arg3[%add3A, %dma_wait3A_644, %dma_wait3A_645] : memref<32x200x128xi32, #tpu.memory_space<hbm>> -> memref<1x200x128xi32, #tpu.memory_space<hbm>>
      %dma_wait3A_647 = tpu.memref_squeeze %dma_wait3A_646 : memref<1x200x128xi32, #tpu.memory_space<hbm>> -> memref<200x128xi32, #tpu.memory_space<hbm>>
      %dma_wait3A_648 = arith.constant 0 : i32
      %dma_wait3A_649 = arith.constant 0 : i32
      %dma_wait3A_650 = tpu.memref_slice %arg3[%add3A, %dma_wait3A_648, %dma_wait3A_649] : memref<32x200x128xi32, #tpu.memory_space<hbm>> -> memref<1x200x128xi32, #tpu.memory_space<hbm>>
      %dma_wait3A_651 = tpu.memref_squeeze %dma_wait3A_650 : memref<1x200x128xi32, #tpu.memory_space<hbm>> -> memref<200x128xi32, #tpu.memory_space<hbm>>
      tpu.wait_dma2 semaphore(%run_scoped3A : memref<!tpu.dma_semaphore, #tpu.memory_space<semaphore_mem>>) src(%dma_wait3A_651 : memref<200x128xi32, #tpu.memory_space<hbm>>) dst(%arg5 : memref<200x128xi32, #tpu.memory_space<vmem>>)
      tpu.yield
    }) : () -> ()
    %dma_start3A = arith.constant 0 : i32
    %dma_start3A_3 = arith.constant 0 : i32
    %dma_start3A_4 = arith.constant 0 : i32
    %dma_start3A_5 = arith.constant 0 : i32
    %dma_start3A_6 = tpu.memref_slice %arg6[%dma_start3A_3, %dma_start3A_4, %dma_start3A_5] : memref<3x512x64xf32, #tpu.memory_space<vmem>> -> memref<1x128x64xf32, #tpu.memory_space<vmem>>
    %dma_start3A_7 = tpu.memref_squeeze %dma_start3A_6 : memref<1x128x64xf32, #tpu.memory_space<vmem>> -> memref<128x64xf32, #tpu.memory_space<vmem>>
    %dma_start3A_8 = arith.constant 0 : i32
    %dma_start3A_9 = tpu.memref_slice %arg5[%dma_start3A, %dma_start3A_8] : memref<200x128xi32, #tpu.memory_space<vmem>> -> memref<1x128xi32, #tpu.memory_space<vmem>>
    %dma_start3A_10 = tpu.memref_squeeze %dma_start3A_9 : memref<1x128xi32, #tpu.memory_space<vmem>> -> memref<128xi32, #tpu.memory_space<vmem>>
    %dma_start3A_11 = arith.constant 0 : i32
    %dma_start3A_12 = arith.constant 0 : i32
    %dma_start3A_13 = tpu.memref_slice %arg2[%dma_start3A_11, %dma_start3A_12] : memref<1000000x64xf32, #tpu.memory_space<hbm>> -> memref<1000000x64xf32, #tpu.memory_space<hbm>>
    tpu.enqueue_indirect_dma source(%dma_start3A_13 : memref<1000000x64xf32, #tpu.memory_space<hbm>>) target(%dma_start3A_7 : memref<128x64xf32, #tpu.memory_space<vmem>>) offsets(%dma_start3A_10 : memref<128xi32, #tpu.memory_space<vmem>>) semaphore(%arg7 : memref<!tpu.dma_semaphore, #tpu.memory_space<semaphore_mem>>)
    %dma_start3A_14 = arith.constant 1 : i32
    %dma_start3A_15 = arith.constant 0 : i32
    %dma_start3A_16 = arith.constant 128 : i32
    %dma_start3A_17 = arith.constant 0 : i32
    %dma_start3A_18 = tpu.memref_slice %arg6[%dma_start3A_15, %dma_start3A_16, %dma_start3A_17] : memref<3x512x64xf32, #tpu.memory_space<vmem>> -> memref<1x128x64xf32, #tpu.memory_space<vmem>>
    %dma_start3A_19 = tpu.memref_squeeze %dma_start3A_18 : memref<1x128x64xf32, #tpu.memory_space<vmem>> -> memref<128x64xf32, #tpu.memory_space<vmem>>
    %dma_start3A_20 = arith.constant 0 : i32
    %dma_start3A_21 = tpu.memref_slice %arg5[%dma_start3A_14, %dma_start3A_20] : memref<200x128xi32, #tpu.memory_space<vmem>> -> memref<1x128xi32, #tpu.memory_space<vmem>>
    %dma_start3A_22 = tpu.memref_squeeze %dma_start3A_21 : memref<1x128xi32, #tpu.memory_space<vmem>> -> memref<128xi32, #tpu.memory_space<vmem>>
    %dma_start3A_23 = arith.constant 0 : i32
    %dma_start3A_24 = arith.constant 0 : i32
    %dma_start3A_25 = tpu.memref_slice %arg2[%dma_start3A_23, %dma_start3A_24] : memref<1000000x64xf32, #tpu.memory_space<hbm>> -> memref<1000000x64xf32, #tpu.memory_space<hbm>>
    tpu.enqueue_indirect_dma source(%dma_start3A_25 : memref<1000000x64xf32, #tpu.memory_space<hbm>>) target(%dma_start3A_19 : memref<128x64xf32, #tpu.memory_space<vmem>>) offsets(%dma_start3A_22 : memref<128xi32, #tpu.memory_space<vmem>>) semaphore(%arg7 : memref<!tpu.dma_semaphore, #tpu.memory_space<semaphore_mem>>)
    %dma_start3A_26 = arith.constant 2 : i32
    %dma_start3A_27 = arith.constant 0 : i32
    %dma_start3A_28 = arith.constant 256 : i32
    %dma_start3A_29 = arith.constant 0 : i32
    %dma_start3A_30 = tpu.memref_slice %arg6[%dma_start3A_27, %dma_start3A_28, %dma_start3A_29] : memref<3x512x64xf32, #tpu.memory_space<vmem>> -> memref<1x128x64xf32, #tpu.memory_space<vmem>>
    %dma_start3A_31 = tpu.memref_squeeze %dma_start3A_30 : memref<1x128x64xf32, #tpu.memory_space<vmem>> -> memref<128x64xf32, #tpu.memory_space<vmem>>
    %dma_start3A_32 = arith.constant 0 : i32
    %dma_start3A_33 = tpu.memref_slice %arg5[%dma_start3A_26, %dma_start3A_32] : memref<200x128xi32, #tpu.memory_space<vmem>> -> memref<1x128xi32, #tpu.memory_space<vmem>>
    %dma_start3A_34 = tpu.memref_squeeze %dma_start3A_33 : memref<1x128xi32, #tpu.memory_space<vmem>> -> memref<128xi32, #tpu.memory_space<vmem>>
    %dma_start3A_35 = arith.constant 0 : i32
    %dma_start3A_36 = arith.constant 0 : i32
    %dma_start3A_37 = tpu.memref_slice %arg2[%dma_start3A_35, %dma_start3A_36] : memref<1000000x64xf32, #tpu.memory_space<hbm>> -> memref<1000000x64xf32, #tpu.memory_space<hbm>>
    tpu.enqueue_indirect_dma source(%dma_start3A_37 : memref<1000000x64xf32, #tpu.memory_space<hbm>>) target(%dma_start3A_31 : memref<128x64xf32, #tpu.memory_space<vmem>>) offsets(%dma_start3A_34 : memref<128xi32, #tpu.memory_space<vmem>>) semaphore(%arg7 : memref<!tpu.dma_semaphore, #tpu.memory_space<semaphore_mem>>)
    %dma_start3A_38 = arith.constant 3 : i32
    %dma_start3A_39 = arith.constant 0 : i32
    %dma_start3A_40 = arith.constant 384 : i32
    %dma_start3A_41 = arith.constant 0 : i32
    %dma_start3A_42 = tpu.memref_slice %arg6[%dma_start3A_39, %dma_start3A_40, %dma_start3A_41] : memref<3x512x64xf32, #tpu.memory_space<vmem>> -> memref<1x128x64xf32, #tpu.memory_space<vmem>>
    %dma_start3A_43 = tpu.memref_squeeze %dma_start3A_42 : memref<1x128x64xf32, #tpu.memory_space<vmem>> -> memref<128x64xf32, #tpu.memory_space<vmem>>
    %dma_start3A_44 = arith.constant 0 : i32
    %dma_start3A_45 = tpu.memref_slice %arg5[%dma_start3A_38, %dma_start3A_44] : memref<200x128xi32, #tpu.memory_space<vmem>> -> memref<1x128xi32, #tpu.memory_space<vmem>>
    %dma_start3A_46 = tpu.memref_squeeze %dma_start3A_45 : memref<1x128xi32, #tpu.memory_space<vmem>> -> memref<128xi32, #tpu.memory_space<vmem>>
    %dma_start3A_47 = arith.constant 0 : i32
    %dma_start3A_48 = arith.constant 0 : i32
    %dma_start3A_49 = tpu.memref_slice %arg2[%dma_start3A_47, %dma_start3A_48] : memref<1000000x64xf32, #tpu.memory_space<hbm>> -> memref<1000000x64xf32, #tpu.memory_space<hbm>>
    tpu.enqueue_indirect_dma source(%dma_start3A_49 : memref<1000000x64xf32, #tpu.memory_space<hbm>>) target(%dma_start3A_43 : memref<128x64xf32, #tpu.memory_space<vmem>>) offsets(%dma_start3A_46 : memref<128xi32, #tpu.memory_space<vmem>>) semaphore(%arg7 : memref<!tpu.dma_semaphore, #tpu.memory_space<semaphore_mem>>)
    %dma_start3A_50 = arith.constant 4 : i32
    %dma_start3A_51 = arith.constant 1 : i32
    %dma_start3A_52 = arith.constant 0 : i32
    %dma_start3A_53 = arith.constant 0 : i32
    %dma_start3A_54 = tpu.memref_slice %arg6[%dma_start3A_51, %dma_start3A_52, %dma_start3A_53] : memref<3x512x64xf32, #tpu.memory_space<vmem>> -> memref<1x128x64xf32, #tpu.memory_space<vmem>>
    %dma_start3A_55 = tpu.memref_squeeze %dma_start3A_54 : memref<1x128x64xf32, #tpu.memory_space<vmem>> -> memref<128x64xf32, #tpu.memory_space<vmem>>
    %dma_start3A_56 = arith.constant 0 : i32
    %dma_start3A_57 = tpu.memref_slice %arg5[%dma_start3A_50, %dma_start3A_56] : memref<200x128xi32, #tpu.memory_space<vmem>> -> memref<1x128xi32, #tpu.memory_space<vmem>>
    %dma_start3A_58 = tpu.memref_squeeze %dma_start3A_57 : memref<1x128xi32, #tpu.memory_space<vmem>> -> memref<128xi32, #tpu.memory_space<vmem>>
    %dma_start3A_59 = arith.constant 0 : i32
    %dma_start3A_60 = arith.constant 0 : i32
    %dma_start3A_61 = tpu.memref_slice %arg2[%dma_start3A_59, %dma_start3A_60] : memref<1000000x64xf32, #tpu.memory_space<hbm>> -> memref<1000000x64xf32, #tpu.memory_space<hbm>>
    tpu.enqueue_indirect_dma source(%dma_start3A_61 : memref<1000000x64xf32, #tpu.memory_space<hbm>>) target(%dma_start3A_55 : memref<128x64xf32, #tpu.memory_space<vmem>>) offsets(%dma_start3A_58 : memref<128xi32, #tpu.memory_space<vmem>>) semaphore(%arg8 : memref<!tpu.dma_semaphore, #tpu.memory_space<semaphore_mem>>)
    %dma_start3A_62 = arith.constant 5 : i32
    %dma_start3A_63 = arith.constant 1 : i32
    %dma_start3A_64 = arith.constant 128 : i32
    %dma_start3A_65 = arith.constant 0 : i32
    %dma_start3A_66 = tpu.memref_slice %arg6[%dma_start3A_63, %dma_start3A_64, %dma_start3A_65] : memref<3x512x64xf32, #tpu.memory_space<vmem>> -> memref<1x128x64xf32, #tpu.memory_space<vmem>>
    %dma_start3A_67 = tpu.memref_squeeze %dma_start3A_66 : memref<1x128x64xf32, #tpu.memory_space<vmem>> -> memref<128x64xf32, #tpu.memory_space<vmem>>
    %dma_start3A_68 = arith.constant 0 : i32
    %dma_start3A_69 = tpu.memref_slice %arg5[%dma_start3A_62, %dma_start3A_68] : memref<200x128xi32, #tpu.memory_space<vmem>> -> memref<1x128xi32, #tpu.memory_space<vmem>>
    %dma_start3A_70 = tpu.memref_squeeze %dma_start3A_69 : memref<1x128xi32, #tpu.memory_space<vmem>> -> memref<128xi32, #tpu.memory_space<vmem>>
    %dma_start3A_71 = arith.constant 0 : i32
    %dma_start3A_72 = arith.constant 0 : i32
    %dma_start3A_73 = tpu.memref_slice %arg2[%dma_start3A_71, %dma_start3A_72] : memref<1000000x64xf32, #tpu.memory_space<hbm>> -> memref<1000000x64xf32, #tpu.memory_space<hbm>>
    tpu.enqueue_indirect_dma source(%dma_start3A_73 : memref<1000000x64xf32, #tpu.memory_space<hbm>>) target(%dma_start3A_67 : memref<128x64xf32, #tpu.memory_space<vmem>>) offsets(%dma_start3A_70 : memref<128xi32, #tpu.memory_space<vmem>>) semaphore(%arg8 : memref<!tpu.dma_semaphore, #tpu.memory_space<semaphore_mem>>)
    %dma_start3A_74 = arith.constant 6 : i32
    %dma_start3A_75 = arith.constant 1 : i32
    %dma_start3A_76 = arith.constant 256 : i32
    %dma_start3A_77 = arith.constant 0 : i32
    %dma_start3A_78 = tpu.memref_slice %arg6[%dma_start3A_75, %dma_start3A_76, %dma_start3A_77] : memref<3x512x64xf32, #tpu.memory_space<vmem>> -> memref<1x128x64xf32, #tpu.memory_space<vmem>>
    %dma_start3A_79 = tpu.memref_squeeze %dma_start3A_78 : memref<1x128x64xf32, #tpu.memory_space<vmem>> -> memref<128x64xf32, #tpu.memory_space<vmem>>
    %dma_start3A_80 = arith.constant 0 : i32
    %dma_start3A_81 = tpu.memref_slice %arg5[%dma_start3A_74, %dma_start3A_80] : memref<200x128xi32, #tpu.memory_space<vmem>> -> memref<1x128xi32, #tpu.memory_space<vmem>>
    %dma_start3A_82 = tpu.memref_squeeze %dma_start3A_81 : memref<1x128xi32, #tpu.memory_space<vmem>> -> memref<128xi32, #tpu.memory_space<vmem>>
    %dma_start3A_83 = arith.constant 0 : i32
    %dma_start3A_84 = arith.constant 0 : i32
    %dma_start3A_85 = tpu.memref_slice %arg2[%dma_start3A_83, %dma_start3A_84] : memref<1000000x64xf32, #tpu.memory_space<hbm>> -> memref<1000000x64xf32, #tpu.memory_space<hbm>>
    tpu.enqueue_indirect_dma source(%dma_start3A_85 : memref<1000000x64xf32, #tpu.memory_space<hbm>>) target(%dma_start3A_79 : memref<128x64xf32, #tpu.memory_space<vmem>>) offsets(%dma_start3A_82 : memref<128xi32, #tpu.memory_space<vmem>>) semaphore(%arg8 : memref<!tpu.dma_semaphore, #tpu.memory_space<semaphore_mem>>)
    %dma_start3A_86 = arith.constant 7 : i32
    %dma_start3A_87 = arith.constant 1 : i32
    %dma_start3A_88 = arith.constant 384 : i32
    %dma_start3A_89 = arith.constant 0 : i32
    %dma_start3A_90 = tpu.memref_slice %arg6[%dma_start3A_87, %dma_start3A_88, %dma_start3A_89] : memref<3x512x64xf32, #tpu.memory_space<vmem>> -> memref<1x128x64xf32, #tpu.memory_space<vmem>>
    %dma_start3A_91 = tpu.memref_squeeze %dma_start3A_90 : memref<1x128x64xf32, #tpu.memory_space<vmem>> -> memref<128x64xf32, #tpu.memory_space<vmem>>
    %dma_start3A_92 = arith.constant 0 : i32
    %dma_start3A_93 = tpu.memref_slice %arg5[%dma_start3A_86, %dma_start3A_92] : memref<200x128xi32, #tpu.memory_space<vmem>> -> memref<1x128xi32, #tpu.memory_space<vmem>>
    %dma_start3A_94 = tpu.memref_squeeze %dma_start3A_93 : memref<1x128xi32, #tpu.memory_space<vmem>> -> memref<128xi32, #tpu.memory_space<vmem>>
    %dma_start3A_95 = arith.constant 0 : i32
    %dma_start3A_96 = arith.constant 0 : i32
    %dma_start3A_97 = tpu.memref_slice %arg2[%dma_start3A_95, %dma_start3A_96] : memref<1000000x64xf32, #tpu.memory_space<hbm>> -> memref<1000000x64xf32, #tpu.memory_space<hbm>>
    tpu.enqueue_indirect_dma source(%dma_start3A_97 : memref<1000000x64xf32, #tpu.memory_space<hbm>>) target(%dma_start3A_91 : memref<128x64xf32, #tpu.memory_space<vmem>>) offsets(%dma_start3A_94 : memref<128xi32, #tpu.memory_space<vmem>>) semaphore(%arg8 : memref<!tpu.dma_semaphore, #tpu.memory_space<semaphore_mem>>)
    %dma_wait3A = arith.constant 0 : i32
    %dma_wait3A_98 = arith.constant 0 : i32
    %dma_wait3A_99 = arith.constant 0 : i32
    %dma_wait3A_100 = arith.constant 0 : i32
    %dma_wait3A_101 = tpu.memref_slice %arg6[%dma_wait3A_98, %dma_wait3A_99, %dma_wait3A_100] : memref<3x512x64xf32, #tpu.memory_space<vmem>> -> memref<1x128x64xf32, #tpu.memory_space<vmem>>
    %dma_wait3A_102 = tpu.memref_squeeze %dma_wait3A_101 : memref<1x128x64xf32, #tpu.memory_space<vmem>> -> memref<128x64xf32, #tpu.memory_space<vmem>>
    %dma_wait3A_103 = arith.constant 0 : i32
    %dma_wait3A_104 = tpu.memref_slice %arg5[%dma_wait3A, %dma_wait3A_103] : memref<200x128xi32, #tpu.memory_space<vmem>> -> memref<1x128xi32, #tpu.memory_space<vmem>>
    %dma_wait3A_105 = tpu.memref_squeeze %dma_wait3A_104 : memref<1x128xi32, #tpu.memory_space<vmem>> -> memref<128xi32, #tpu.memory_space<vmem>>
    %dma_wait3A_106 = arith.constant 0 : i32
    %dma_wait3A_107 = arith.constant 0 : i32
    %dma_wait3A_108 = tpu.memref_slice %arg2[%dma_wait3A_106, %dma_wait3A_107] : memref<1000000x64xf32, #tpu.memory_space<hbm>> -> memref<1000000x64xf32, #tpu.memory_space<hbm>>
    tpu.wait_indirect_dma semaphore(%arg7 : memref<!tpu.dma_semaphore, #tpu.memory_space<semaphore_mem>>) src(%dma_wait3A_108 : memref<1000000x64xf32, #tpu.memory_space<hbm>>) dst(%dma_wait3A_102 : memref<128x64xf32, #tpu.memory_space<vmem>>)
    %dma_wait3A_109 = arith.constant 1 : i32
    %dma_wait3A_110 = arith.constant 0 : i32
    %dma_wait3A_111 = arith.constant 128 : i32
    %dma_wait3A_112 = arith.constant 0 : i32
    %dma_wait3A_113 = tpu.memref_slice %arg6[%dma_wait3A_110, %dma_wait3A_111, %dma_wait3A_112] : memref<3x512x64xf32, #tpu.memory_space<vmem>> -> memref<1x128x64xf32, #tpu.memory_space<vmem>>
    %dma_wait3A_114 = tpu.memref_squeeze %dma_wait3A_113 : memref<1x128x64xf32, #tpu.memory_space<vmem>> -> memref<128x64xf32, #tpu.memory_space<vmem>>
    %dma_wait3A_115 = arith.constant 0 : i32
    %dma_wait3A_116 = tpu.memref_slice %arg5[%dma_wait3A_109, %dma_wait3A_115] : memref<200x128xi32, #tpu.memory_space<vmem>> -> memref<1x128xi32, #tpu.memory_space<vmem>>
    %dma_wait3A_117 = tpu.memref_squeeze %dma_wait3A_116 : memref<1x128xi32, #tpu.memory_space<vmem>> -> memref<128xi32, #tpu.memory_space<vmem>>
    %dma_wait3A_118 = arith.constant 0 : i32
    %dma_wait3A_119 = arith.constant 0 : i32
    %dma_wait3A_120 = tpu.memref_slice %arg2[%dma_wait3A_118, %dma_wait3A_119] : memref<1000000x64xf32, #tpu.memory_space<hbm>> -> memref<1000000x64xf32, #tpu.memory_space<hbm>>
    tpu.wait_indirect_dma semaphore(%arg7 : memref<!tpu.dma_semaphore, #tpu.memory_space<semaphore_mem>>) src(%dma_wait3A_120 : memref<1000000x64xf32, #tpu.memory_space<hbm>>) dst(%dma_wait3A_114 : memref<128x64xf32, #tpu.memory_space<vmem>>)
    %dma_wait3A_121 = arith.constant 2 : i32
    %dma_wait3A_122 = arith.constant 0 : i32
    %dma_wait3A_123 = arith.constant 256 : i32
    %dma_wait3A_124 = arith.constant 0 : i32
    %dma_wait3A_125 = tpu.memref_slice %arg6[%dma_wait3A_122, %dma_wait3A_123, %dma_wait3A_124] : memref<3x512x64xf32, #tpu.memory_space<vmem>> -> memref<1x128x64xf32, #tpu.memory_space<vmem>>
    %dma_wait3A_126 = tpu.memref_squeeze %dma_wait3A_125 : memref<1x128x64xf32, #tpu.memory_space<vmem>> -> memref<128x64xf32, #tpu.memory_space<vmem>>
    %dma_wait3A_127 = arith.constant 0 : i32
    %dma_wait3A_128 = tpu.memref_slice %arg5[%dma_wait3A_121, %dma_wait3A_127] : memref<200x128xi32, #tpu.memory_space<vmem>> -> memref<1x128xi32, #tpu.memory_space<vmem>>
    %dma_wait3A_129 = tpu.memref_squeeze %dma_wait3A_128 : memref<1x128xi32, #tpu.memory_space<vmem>> -> memref<128xi32, #tpu.memory_space<vmem>>
    %dma_wait3A_130 = arith.constant 0 : i32
    %dma_wait3A_131 = arith.constant 0 : i32
    %dma_wait3A_132 = tpu.memref_slice %arg2[%dma_wait3A_130, %dma_wait3A_131] : memref<1000000x64xf32, #tpu.memory_space<hbm>> -> memref<1000000x64xf32, #tpu.memory_space<hbm>>
    tpu.wait_indirect_dma semaphore(%arg7 : memref<!tpu.dma_semaphore, #tpu.memory_space<semaphore_mem>>) src(%dma_wait3A_132 : memref<1000000x64xf32, #tpu.memory_space<hbm>>) dst(%dma_wait3A_126 : memref<128x64xf32, #tpu.memory_space<vmem>>)
    %dma_wait3A_133 = arith.constant 3 : i32
    %dma_wait3A_134 = arith.constant 0 : i32
    %dma_wait3A_135 = arith.constant 384 : i32
    %dma_wait3A_136 = arith.constant 0 : i32
    %dma_wait3A_137 = tpu.memref_slice %arg6[%dma_wait3A_134, %dma_wait3A_135, %dma_wait3A_136] : memref<3x512x64xf32, #tpu.memory_space<vmem>> -> memref<1x128x64xf32, #tpu.memory_space<vmem>>
    %dma_wait3A_138 = tpu.memref_squeeze %dma_wait3A_137 : memref<1x128x64xf32, #tpu.memory_space<vmem>> -> memref<128x64xf32, #tpu.memory_space<vmem>>
    %dma_wait3A_139 = arith.constant 0 : i32
    %dma_wait3A_140 = tpu.memref_slice %arg5[%dma_wait3A_133, %dma_wait3A_139] : memref<200x128xi32, #tpu.memory_space<vmem>> -> memref<1x128xi32, #tpu.memory_space<vmem>>
    %dma_wait3A_141 = tpu.memref_squeeze %dma_wait3A_140 : memref<1x128xi32, #tpu.memory_space<vmem>> -> memref<128xi32, #tpu.memory_space<vmem>>
    %dma_wait3A_142 = arith.constant 0 : i32
    %dma_wait3A_143 = arith.constant 0 : i32
    %dma_wait3A_144 = tpu.memref_slice %arg2[%dma_wait3A_142, %dma_wait3A_143] : memref<1000000x64xf32, #tpu.memory_space<hbm>> -> memref<1000000x64xf32, #tpu.memory_space<hbm>>
    tpu.wait_indirect_dma semaphore(%arg7 : memref<!tpu.dma_semaphore, #tpu.memory_space<semaphore_mem>>) src(%dma_wait3A_144 : memref<1000000x64xf32, #tpu.memory_space<hbm>>) dst(%dma_wait3A_138 : memref<128x64xf32, #tpu.memory_space<vmem>>)
    %add3A_145 = arith.constant 0 : i32
    %add3A_146 = arith.addi %mul3A_2, %add3A_145 : i32
    %dma_start3A_147 = arith.constant 0 : i32
    %dma_start3A_148 = arith.constant 0 : i32
    %dma_start3A_149 = arith.constant 0 : i32
    %dma_start3A_150 = tpu.memref_slice %arg6[%dma_start3A_147, %dma_start3A_148, %dma_start3A_149] : memref<3x512x64xf32, #tpu.memory_space<vmem>> -> memref<1x512x64xf32, #tpu.memory_space<vmem>>
    %dma_start3A_151 = tpu.memref_squeeze %dma_start3A_150 : memref<1x512x64xf32, #tpu.memory_space<vmem>> -> memref<512x64xf32, #tpu.memory_space<vmem>>
    %dma_start3A_152 = arith.constant 0 : i32
    %dma_start3A_153 = tpu.memref_slice %arg4[%add3A_146, %dma_start3A_152] : memref<819200x128xf32, #tpu.memory_space<hbm>> -> memref<512x64xf32, #tpu.memory_space<hbm>>
    %dma_start3A_154 = arith.constant 0 : i32
    %dma_start3A_155 = tpu.memref_slice %arg4[%add3A_146, %dma_start3A_154] : memref<819200x128xf32, #tpu.memory_space<hbm>> -> memref<512x64xf32, #tpu.memory_space<hbm>>
    %dma_start3A_156 = arith.constant 0 : i32
    %dma_start3A_157 = arith.constant 0 : i32
    %dma_start3A_158 = tpu.memref_slice %arg6[%dma_start3A_147, %dma_start3A_156, %dma_start3A_157] : memref<3x512x64xf32, #tpu.memory_space<vmem>> -> memref<1x512x64xf32, #tpu.memory_space<vmem>>
    %dma_start3A_159 = tpu.memref_squeeze %dma_start3A_158 : memref<1x512x64xf32, #tpu.memory_space<vmem>> -> memref<512x64xf32, #tpu.memory_space<vmem>>
    tpu.enqueue_dma source(%dma_start3A_159 : memref<512x64xf32, #tpu.memory_space<vmem>>) target(%dma_start3A_155 : memref<512x64xf32, #tpu.memory_space<hbm>>) target_semaphore(%arg10 : memref<!tpu.dma_semaphore, #tpu.memory_space<semaphore_mem>>)
    %dma_wait3A_160 = arith.constant 4 : i32
    %dma_wait3A_161 = arith.constant 1 : i32
    %dma_wait3A_162 = arith.constant 0 : i32
    %dma_wait3A_163 = arith.constant 0 : i32
    %dma_wait3A_164 = tpu.memref_slice %arg6[%dma_wait3A_161, %dma_wait3A_162, %dma_wait3A_163] : memref<3x512x64xf32, #tpu.memory_space<vmem>> -> memref<1x128x64xf32, #tpu.memory_space<vmem>>
    %dma_wait3A_165 = tpu.memref_squeeze %dma_wait3A_164 : memref<1x128x64xf32, #tpu.memory_space<vmem>> -> memref<128x64xf32, #tpu.memory_space<vmem>>
    %dma_wait3A_166 = arith.constant 0 : i32
    %dma_wait3A_167 = tpu.memref_slice %arg5[%dma_wait3A_160, %dma_wait3A_166] : memref<200x128xi32, #tpu.memory_space<vmem>> -> memref<1x128xi32, #tpu.memory_space<vmem>>
    %dma_wait3A_168 = tpu.memref_squeeze %dma_wait3A_167 : memref<1x128xi32, #tpu.memory_space<vmem>> -> memref<128xi32, #tpu.memory_space<vmem>>
    %dma_wait3A_169 = arith.constant 0 : i32
    %dma_wait3A_170 = arith.constant 0 : i32
    %dma_wait3A_171 = tpu.memref_slice %arg2[%dma_wait3A_169, %dma_wait3A_170] : memref<1000000x64xf32, #tpu.memory_space<hbm>> -> memref<1000000x64xf32, #tpu.memory_space<hbm>>
    tpu.wait_indirect_dma semaphore(%arg8 : memref<!tpu.dma_semaphore, #tpu.memory_space<semaphore_mem>>) src(%dma_wait3A_171 : memref<1000000x64xf32, #tpu.memory_space<hbm>>) dst(%dma_wait3A_165 : memref<128x64xf32, #tpu.memory_space<vmem>>)
    %dma_wait3A_172 = arith.constant 5 : i32
    %dma_wait3A_173 = arith.constant 1 : i32
    %dma_wait3A_174 = arith.constant 128 : i32
    %dma_wait3A_175 = arith.constant 0 : i32
    %dma_wait3A_176 = tpu.memref_slice %arg6[%dma_wait3A_173, %dma_wait3A_174, %dma_wait3A_175] : memref<3x512x64xf32, #tpu.memory_space<vmem>> -> memref<1x128x64xf32, #tpu.memory_space<vmem>>
    %dma_wait3A_177 = tpu.memref_squeeze %dma_wait3A_176 : memref<1x128x64xf32, #tpu.memory_space<vmem>> -> memref<128x64xf32, #tpu.memory_space<vmem>>
    %dma_wait3A_178 = arith.constant 0 : i32
    %dma_wait3A_179 = tpu.memref_slice %arg5[%dma_wait3A_172, %dma_wait3A_178] : memref<200x128xi32, #tpu.memory_space<vmem>> -> memref<1x128xi32, #tpu.memory_space<vmem>>
    %dma_wait3A_180 = tpu.memref_squeeze %dma_wait3A_179 : memref<1x128xi32, #tpu.memory_space<vmem>> -> memref<128xi32, #tpu.memory_space<vmem>>
    %dma_wait3A_181 = arith.constant 0 : i32
    %dma_wait3A_182 = arith.constant 0 : i32
    %dma_wait3A_183 = tpu.memref_slice %arg2[%dma_wait3A_181, %dma_wait3A_182] : memref<1000000x64xf32, #tpu.memory_space<hbm>> -> memref<1000000x64xf32, #tpu.memory_space<hbm>>
    tpu.wait_indirect_dma semaphore(%arg8 : memref<!tpu.dma_semaphore, #tpu.memory_space<semaphore_mem>>) src(%dma_wait3A_183 : memref<1000000x64xf32, #tpu.memory_space<hbm>>) dst(%dma_wait3A_177 : memref<128x64xf32, #tpu.memory_space<vmem>>)
    %dma_wait3A_184 = arith.constant 6 : i32
    %dma_wait3A_185 = arith.constant 1 : i32
    %dma_wait3A_186 = arith.constant 256 : i32
    %dma_wait3A_187 = arith.constant 0 : i32
    %dma_wait3A_188 = tpu.memref_slice %arg6[%dma_wait3A_185, %dma_wait3A_186, %dma_wait3A_187] : memref<3x512x64xf32, #tpu.memory_space<vmem>> -> memref<1x128x64xf32, #tpu.memory_space<vmem>>
    %dma_wait3A_189 = tpu.memref_squeeze %dma_wait3A_188 : memref<1x128x64xf32, #tpu.memory_space<vmem>> -> memref<128x64xf32, #tpu.memory_space<vmem>>
    %dma_wait3A_190 = arith.constant 0 : i32
    %dma_wait3A_191 = tpu.memref_slice %arg5[%dma_wait3A_184, %dma_wait3A_190] : memref<200x128xi32, #tpu.memory_space<vmem>> -> memref<1x128xi32, #tpu.memory_space<vmem>>
    %dma_wait3A_192 = tpu.memref_squeeze %dma_wait3A_191 : memref<1x128xi32, #tpu.memory_space<vmem>> -> memref<128xi32, #tpu.memory_space<vmem>>
    %dma_wait3A_193 = arith.constant 0 : i32
    %dma_wait3A_194 = arith.constant 0 : i32
    %dma_wait3A_195 = tpu.memref_slice %arg2[%dma_wait3A_193, %dma_wait3A_194] : memref<1000000x64xf32, #tpu.memory_space<hbm>> -> memref<1000000x64xf32, #tpu.memory_space<hbm>>
    tpu.wait_indirect_dma semaphore(%arg8 : memref<!tpu.dma_semaphore, #tpu.memory_space<semaphore_mem>>) src(%dma_wait3A_195 : memref<1000000x64xf32, #tpu.memory_space<hbm>>) dst(%dma_wait3A_189 : memref<128x64xf32, #tpu.memory_space<vmem>>)
    %dma_wait3A_196 = arith.constant 7 : i32
    %dma_wait3A_197 = arith.constant 1 : i32
    %dma_wait3A_198 = arith.constant 384 : i32
    %dma_wait3A_199 = arith.constant 0 : i32
    %dma_wait3A_200 = tpu.memref_slice %arg6[%dma_wait3A_197, %dma_wait3A_198, %dma_wait3A_199] : memref<3x512x64xf32, #tpu.memory_space<vmem>> -> memref<1x128x64xf32, #tpu.memory_space<vmem>>
    %dma_wait3A_201 = tpu.memref_squeeze %dma_wait3A_200 : memref<1x128x64xf32, #tpu.memory_space<vmem>> -> memref<128x64xf32, #tpu.memory_space<vmem>>
    %dma_wait3A_202 = arith.constant 0 : i32
    %dma_wait3A_203 = tpu.memref_slice %arg5[%dma_wait3A_196, %dma_wait3A_202] : memref<200x128xi32, #tpu.memory_space<vmem>> -> memref<1x128xi32, #tpu.memory_space<vmem>>
    %dma_wait3A_204 = tpu.memref_squeeze %dma_wait3A_203 : memref<1x128xi32, #tpu.memory_space<vmem>> -> memref<128xi32, #tpu.memory_space<vmem>>
    %dma_wait3A_205 = arith.constant 0 : i32
    %dma_wait3A_206 = arith.constant 0 : i32
    %dma_wait3A_207 = tpu.memref_slice %arg2[%dma_wait3A_205, %dma_wait3A_206] : memref<1000000x64xf32, #tpu.memory_space<hbm>> -> memref<1000000x64xf32, #tpu.memory_space<hbm>>
    tpu.wait_indirect_dma semaphore(%arg8 : memref<!tpu.dma_semaphore, #tpu.memory_space<semaphore_mem>>) src(%dma_wait3A_207 : memref<1000000x64xf32, #tpu.memory_space<hbm>>) dst(%dma_wait3A_201 : memref<128x64xf32, #tpu.memory_space<vmem>>)
    %add3A_208 = arith.constant 512 : i32
    %add3A_209 = arith.addi %mul3A_2, %add3A_208 : i32
    %dma_start3A_210 = arith.constant 1 : i32
    %dma_start3A_211 = arith.constant 0 : i32
    %dma_start3A_212 = arith.constant 0 : i32
    %dma_start3A_213 = tpu.memref_slice %arg6[%dma_start3A_210, %dma_start3A_211, %dma_start3A_212] : memref<3x512x64xf32, #tpu.memory_space<vmem>> -> memref<1x512x64xf32, #tpu.memory_space<vmem>>
    %dma_start3A_214 = tpu.memref_squeeze %dma_start3A_213 : memref<1x512x64xf32, #tpu.memory_space<vmem>> -> memref<512x64xf32, #tpu.memory_space<vmem>>
    %dma_start3A_215 = arith.constant 0 : i32
    %dma_start3A_216 = tpu.memref_slice %arg4[%add3A_209, %dma_start3A_215] : memref<819200x128xf32, #tpu.memory_space<hbm>> -> memref<512x64xf32, #tpu.memory_space<hbm>>
    %dma_start3A_217 = arith.constant 0 : i32
    %dma_start3A_218 = tpu.memref_slice %arg4[%add3A_209, %dma_start3A_217] : memref<819200x128xf32, #tpu.memory_space<hbm>> -> memref<512x64xf32, #tpu.memory_space<hbm>>
    %dma_start3A_219 = arith.constant 0 : i32
    %dma_start3A_220 = arith.constant 0 : i32
    %dma_start3A_221 = tpu.memref_slice %arg6[%dma_start3A_210, %dma_start3A_219, %dma_start3A_220] : memref<3x512x64xf32, #tpu.memory_space<vmem>> -> memref<1x512x64xf32, #tpu.memory_space<vmem>>
    %dma_start3A_222 = tpu.memref_squeeze %dma_start3A_221 : memref<1x512x64xf32, #tpu.memory_space<vmem>> -> memref<512x64xf32, #tpu.memory_space<vmem>>
    tpu.enqueue_dma source(%dma_start3A_222 : memref<512x64xf32, #tpu.memory_space<vmem>>) target(%dma_start3A_218 : memref<512x64xf32, #tpu.memory_space<hbm>>) target_semaphore(%arg11 : memref<!tpu.dma_semaphore, #tpu.memory_space<semaphore_mem>>)
    %dma_start3A_223 = arith.constant 8 : i32
    %dma_start3A_224 = arith.constant 2 : i32
    %dma_start3A_225 = arith.constant 0 : i32
    %dma_start3A_226 = arith.constant 0 : i32
    %dma_start3A_227 = tpu.memref_slice %arg6[%dma_start3A_224, %dma_start3A_225, %dma_start3A_226] : memref<3x512x64xf32, #tpu.memory_space<vmem>> -> memref<1x128x64xf32, #tpu.memory_space<vmem>>
    %dma_start3A_228 = tpu.memref_squeeze %dma_start3A_227 : memref<1x128x64xf32, #tpu.memory_space<vmem>> -> memref<128x64xf32, #tpu.memory_space<vmem>>
    %dma_start3A_229 = arith.constant 0 : i32
    %dma_start3A_230 = tpu.memref_slice %arg5[%dma_start3A_223, %dma_start3A_229] : memref<200x128xi32, #tpu.memory_space<vmem>> -> memref<1x128xi32, #tpu.memory_space<vmem>>
    %dma_start3A_231 = tpu.memref_squeeze %dma_start3A_230 : memref<1x128xi32, #tpu.memory_space<vmem>> -> memref<128xi32, #tpu.memory_space<vmem>>
    %dma_start3A_232 = arith.constant 0 : i32
    %dma_start3A_233 = arith.constant 0 : i32
    %dma_start3A_234 = tpu.memref_slice %arg2[%dma_start3A_232, %dma_start3A_233] : memref<1000000x64xf32, #tpu.memory_space<hbm>> -> memref<1000000x64xf32, #tpu.memory_space<hbm>>
    tpu.enqueue_indirect_dma source(%dma_start3A_234 : memref<1000000x64xf32, #tpu.memory_space<hbm>>) target(%dma_start3A_228 : memref<128x64xf32, #tpu.memory_space<vmem>>) offsets(%dma_start3A_231 : memref<128xi32, #tpu.memory_space<vmem>>) semaphore(%arg9 : memref<!tpu.dma_semaphore, #tpu.memory_space<semaphore_mem>>)
    %dma_start3A_235 = arith.constant 9 : i32
    %dma_start3A_236 = arith.constant 2 : i32
    %dma_start3A_237 = arith.constant 128 : i32
    %dma_start3A_238 = arith.constant 0 : i32
    %dma_start3A_239 = tpu.memref_slice %arg6[%dma_start3A_236, %dma_start3A_237, %dma_start3A_238] : memref<3x512x64xf32, #tpu.memory_space<vmem>> -> memref<1x128x64xf32, #tpu.memory_space<vmem>>
    %dma_start3A_240 = tpu.memref_squeeze %dma_start3A_239 : memref<1x128x64xf32, #tpu.memory_space<vmem>> -> memref<128x64xf32, #tpu.memory_space<vmem>>
    %dma_start3A_241 = arith.constant 0 : i32
    %dma_start3A_242 = tpu.memref_slice %arg5[%dma_start3A_235, %dma_start3A_241] : memref<200x128xi32, #tpu.memory_space<vmem>> -> memref<1x128xi32, #tpu.memory_space<vmem>>
    %dma_start3A_243 = tpu.memref_squeeze %dma_start3A_242 : memref<1x128xi32, #tpu.memory_space<vmem>> -> memref<128xi32, #tpu.memory_space<vmem>>
    %dma_start3A_244 = arith.constant 0 : i32
    %dma_start3A_245 = arith.constant 0 : i32
    %dma_start3A_246 = tpu.memref_slice %arg2[%dma_start3A_244, %dma_start3A_245] : memref<1000000x64xf32, #tpu.memory_space<hbm>> -> memref<1000000x64xf32, #tpu.memory_space<hbm>>
    tpu.enqueue_indirect_dma source(%dma_start3A_246 : memref<1000000x64xf32, #tpu.memory_space<hbm>>) target(%dma_start3A_240 : memref<128x64xf32, #tpu.memory_space<vmem>>) offsets(%dma_start3A_243 : memref<128xi32, #tpu.memory_space<vmem>>) semaphore(%arg9 : memref<!tpu.dma_semaphore, #tpu.memory_space<semaphore_mem>>)
    %dma_start3A_247 = arith.constant 10 : i32
    %dma_start3A_248 = arith.constant 2 : i32
    %dma_start3A_249 = arith.constant 256 : i32
    %dma_start3A_250 = arith.constant 0 : i32
    %dma_start3A_251 = tpu.memref_slice %arg6[%dma_start3A_248, %dma_start3A_249, %dma_start3A_250] : memref<3x512x64xf32, #tpu.memory_space<vmem>> -> memref<1x128x64xf32, #tpu.memory_space<vmem>>
    %dma_start3A_252 = tpu.memref_squeeze %dma_start3A_251 : memref<1x128x64xf32, #tpu.memory_space<vmem>> -> memref<128x64xf32, #tpu.memory_space<vmem>>
    %dma_start3A_253 = arith.constant 0 : i32
    %dma_start3A_254 = tpu.memref_slice %arg5[%dma_start3A_247, %dma_start3A_253] : memref<200x128xi32, #tpu.memory_space<vmem>> -> memref<1x128xi32, #tpu.memory_space<vmem>>
    %dma_start3A_255 = tpu.memref_squeeze %dma_start3A_254 : memref<1x128xi32, #tpu.memory_space<vmem>> -> memref<128xi32, #tpu.memory_space<vmem>>
    %dma_start3A_256 = arith.constant 0 : i32
    %dma_start3A_257 = arith.constant 0 : i32
    %dma_start3A_258 = tpu.memref_slice %arg2[%dma_start3A_256, %dma_start3A_257] : memref<1000000x64xf32, #tpu.memory_space<hbm>> -> memref<1000000x64xf32, #tpu.memory_space<hbm>>
    tpu.enqueue_indirect_dma source(%dma_start3A_258 : memref<1000000x64xf32, #tpu.memory_space<hbm>>) target(%dma_start3A_252 : memref<128x64xf32, #tpu.memory_space<vmem>>) offsets(%dma_start3A_255 : memref<128xi32, #tpu.memory_space<vmem>>) semaphore(%arg9 : memref<!tpu.dma_semaphore, #tpu.memory_space<semaphore_mem>>)
    %dma_start3A_259 = arith.constant 11 : i32
    %dma_start3A_260 = arith.constant 2 : i32
    %dma_start3A_261 = arith.constant 384 : i32
    %dma_start3A_262 = arith.constant 0 : i32
    %dma_start3A_263 = tpu.memref_slice %arg6[%dma_start3A_260, %dma_start3A_261, %dma_start3A_262] : memref<3x512x64xf32, #tpu.memory_space<vmem>> -> memref<1x128x64xf32, #tpu.memory_space<vmem>>
    %dma_start3A_264 = tpu.memref_squeeze %dma_start3A_263 : memref<1x128x64xf32, #tpu.memory_space<vmem>> -> memref<128x64xf32, #tpu.memory_space<vmem>>
    %dma_start3A_265 = arith.constant 0 : i32
    %dma_start3A_266 = tpu.memref_slice %arg5[%dma_start3A_259, %dma_start3A_265] : memref<200x128xi32, #tpu.memory_space<vmem>> -> memref<1x128xi32, #tpu.memory_space<vmem>>
    %dma_start3A_267 = tpu.memref_squeeze %dma_start3A_266 : memref<1x128xi32, #tpu.memory_space<vmem>> -> memref<128xi32, #tpu.memory_space<vmem>>
    %dma_start3A_268 = arith.constant 0 : i32
    %dma_start3A_269 = arith.constant 0 : i32
    %dma_start3A_270 = tpu.memref_slice %arg2[%dma_start3A_268, %dma_start3A_269] : memref<1000000x64xf32, #tpu.memory_space<hbm>> -> memref<1000000x64xf32, #tpu.memory_space<hbm>>
    tpu.enqueue_indirect_dma source(%dma_start3A_270 : memref<1000000x64xf32, #tpu.memory_space<hbm>>) target(%dma_start3A_264 : memref<128x64xf32, #tpu.memory_space<vmem>>) offsets(%dma_start3A_267 : memref<128xi32, #tpu.memory_space<vmem>>) semaphore(%arg9 : memref<!tpu.dma_semaphore, #tpu.memory_space<semaphore_mem>>)
    %dma_wait3A_271 = arith.constant 0 : i32
    %dma_wait3A_272 = arith.constant 0 : i32
    %dma_wait3A_273 = arith.constant 0 : i32
    %dma_wait3A_274 = tpu.memref_slice %arg6[%dma_wait3A_271, %dma_wait3A_272, %dma_wait3A_273] : memref<3x512x64xf32, #tpu.memory_space<vmem>> -> memref<1x512x64xf32, #tpu.memory_space<vmem>>
    %dma_wait3A_275 = tpu.memref_squeeze %dma_wait3A_274 : memref<1x512x64xf32, #tpu.memory_space<vmem>> -> memref<512x64xf32, #tpu.memory_space<vmem>>
    %dma_wait3A_276 = arith.constant 0 : i32
    %dma_wait3A_277 = arith.constant 0 : i32
    %dma_wait3A_278 = tpu.memref_slice %arg2[%dma_wait3A_276, %dma_wait3A_277] : memref<1000000x64xf32, #tpu.memory_space<hbm>> -> memref<512x64xf32, #tpu.memory_space<hbm>>
    %dma_wait3A_279 = arith.constant 0 : i32
    %dma_wait3A_280 = arith.constant 0 : i32
    %dma_wait3A_281 = tpu.memref_slice %arg6[%dma_wait3A_271, %dma_wait3A_279, %dma_wait3A_280] : memref<3x512x64xf32, #tpu.memory_space<vmem>> -> memref<1x512x64xf32, #tpu.memory_space<vmem>>
    %dma_wait3A_282 = tpu.memref_squeeze %dma_wait3A_281 : memref<1x512x64xf32, #tpu.memory_space<vmem>> -> memref<512x64xf32, #tpu.memory_space<vmem>>
    %dma_wait3A_283 = arith.constant 0 : i32
    %dma_wait3A_284 = arith.constant 0 : i32
    %dma_wait3A_285 = tpu.memref_slice %arg2[%dma_wait3A_283, %dma_wait3A_284] : memref<1000000x64xf32, #tpu.memory_space<hbm>> -> memref<512x64xf32, #tpu.memory_space<hbm>>
    tpu.wait_dma2 semaphore(%arg10 : memref<!tpu.dma_semaphore, #tpu.memory_space<semaphore_mem>>) src(%dma_wait3A_285 : memref<512x64xf32, #tpu.memory_space<hbm>>) dst(%dma_wait3A_282 : memref<512x64xf32, #tpu.memory_space<vmem>>)
    %dma_start3A_286 = arith.constant 12 : i32
    %dma_start3A_287 = arith.constant 0 : i32
    %dma_start3A_288 = arith.constant 0 : i32
    %dma_start3A_289 = arith.constant 0 : i32
    %dma_start3A_290 = tpu.memref_slice %arg6[%dma_start3A_287, %dma_start3A_288, %dma_start3A_289] : memref<3x512x64xf32, #tpu.memory_space<vmem>> -> memref<1x128x64xf32, #tpu.memory_space<vmem>>
    %dma_start3A_291 = tpu.memref_squeeze %dma_start3A_290 : memref<1x128x64xf32, #tpu.memory_space<vmem>> -> memref<128x64xf32, #tpu.memory_space<vmem>>
    %dma_start3A_292 = arith.constant 0 : i32
    %dma_start3A_293 = tpu.memref_slice %arg5[%dma_start3A_286, %dma_start3A_292] : memref<200x128xi32, #tpu.memory_space<vmem>> -> memref<1x128xi32, #tpu.memory_space<vmem>>
    %dma_start3A_294 = tpu.memref_squeeze %dma_start3A_293 : memref<1x128xi32, #tpu.memory_space<vmem>> -> memref<128xi32, #tpu.memory_space<vmem>>
    %dma_start3A_295 = arith.constant 0 : i32
    %dma_start3A_296 = arith.constant 0 : i32
    %dma_start3A_297 = tpu.memref_slice %arg2[%dma_start3A_295, %dma_start3A_296] : memref<1000000x64xf32, #tpu.memory_space<hbm>> -> memref<1000000x64xf32, #tpu.memory_space<hbm>>
    tpu.enqueue_indirect_dma source(%dma_start3A_297 : memref<1000000x64xf32, #tpu.memory_space<hbm>>) target(%dma_start3A_291 : memref<128x64xf32, #tpu.memory_space<vmem>>) offsets(%dma_start3A_294 : memref<128xi32, #tpu.memory_space<vmem>>) semaphore(%arg7 : memref<!tpu.dma_semaphore, #tpu.memory_space<semaphore_mem>>)
    %dma_start3A_298 = arith.constant 13 : i32
    %dma_start3A_299 = arith.constant 0 : i32
    %dma_start3A_300 = arith.constant 128 : i32
    %dma_start3A_301 = arith.constant 0 : i32
    %dma_start3A_302 = tpu.memref_slice %arg6[%dma_start3A_299, %dma_start3A_300, %dma_start3A_301] : memref<3x512x64xf32, #tpu.memory_space<vmem>> -> memref<1x128x64xf32, #tpu.memory_space<vmem>>
    %dma_start3A_303 = tpu.memref_squeeze %dma_start3A_302 : memref<1x128x64xf32, #tpu.memory_space<vmem>> -> memref<128x64xf32, #tpu.memory_space<vmem>>
    %dma_start3A_304 = arith.constant 0 : i32
    %dma_start3A_305 = tpu.memref_slice %arg5[%dma_start3A_298, %dma_start3A_304] : memref<200x128xi32, #tpu.memory_space<vmem>> -> memref<1x128xi32, #tpu.memory_space<vmem>>
    %dma_start3A_306 = tpu.memref_squeeze %dma_start3A_305 : memref<1x128xi32, #tpu.memory_space<vmem>> -> memref<128xi32, #tpu.memory_space<vmem>>
    %dma_start3A_307 = arith.constant 0 : i32
    %dma_start3A_308 = arith.constant 0 : i32
    %dma_start3A_309 = tpu.memref_slice %arg2[%dma_start3A_307, %dma_start3A_308] : memref<1000000x64xf32, #tpu.memory_space<hbm>> -> memref<1000000x64xf32, #tpu.memory_space<hbm>>
    tpu.enqueue_indirect_dma source(%dma_start3A_309 : memref<1000000x64xf32, #tpu.memory_space<hbm>>) target(%dma_start3A_303 : memref<128x64xf32, #tpu.memory_space<vmem>>) offsets(%dma_start3A_306 : memref<128xi32, #tpu.memory_space<vmem>>) semaphore(%arg7 : memref<!tpu.dma_semaphore, #tpu.memory_space<semaphore_mem>>)
    %dma_start3A_310 = arith.constant 14 : i32
    %dma_start3A_311 = arith.constant 0 : i32
    %dma_start3A_312 = arith.constant 256 : i32
    %dma_start3A_313 = arith.constant 0 : i32
    %dma_start3A_314 = tpu.memref_slice %arg6[%dma_start3A_311, %dma_start3A_312, %dma_start3A_313] : memref<3x512x64xf32, #tpu.memory_space<vmem>> -> memref<1x128x64xf32, #tpu.memory_space<vmem>>
    %dma_start3A_315 = tpu.memref_squeeze %dma_start3A_314 : memref<1x128x64xf32, #tpu.memory_space<vmem>> -> memref<128x64xf32, #tpu.memory_space<vmem>>
    %dma_start3A_316 = arith.constant 0 : i32
    %dma_start3A_317 = tpu.memref_slice %arg5[%dma_start3A_310, %dma_start3A_316] : memref<200x128xi32, #tpu.memory_space<vmem>> -> memref<1x128xi32, #tpu.memory_space<vmem>>
    %dma_start3A_318 = tpu.memref_squeeze %dma_start3A_317 : memref<1x128xi32, #tpu.memory_space<vmem>> -> memref<128xi32, #tpu.memory_space<vmem>>
    %dma_start3A_319 = arith.constant 0 : i32
    %dma_start3A_320 = arith.constant 0 : i32
    %dma_start3A_321 = tpu.memref_slice %arg2[%dma_start3A_319, %dma_start3A_320] : memref<1000000x64xf32, #tpu.memory_space<hbm>> -> memref<1000000x64xf32, #tpu.memory_space<hbm>>
    tpu.enqueue_indirect_dma source(%dma_start3A_321 : memref<1000000x64xf32, #tpu.memory_space<hbm>>) target(%dma_start3A_315 : memref<128x64xf32, #tpu.memory_space<vmem>>) offsets(%dma_start3A_318 : memref<128xi32, #tpu.memory_space<vmem>>) semaphore(%arg7 : memref<!tpu.dma_semaphore, #tpu.memory_space<semaphore_mem>>)
    %dma_start3A_322 = arith.constant 15 : i32
    %dma_start3A_323 = arith.constant 0 : i32
    %dma_start3A_324 = arith.constant 384 : i32
    %dma_start3A_325 = arith.constant 0 : i32
    %dma_start3A_326 = tpu.memref_slice %arg6[%dma_start3A_323, %dma_start3A_324, %dma_start3A_325] : memref<3x512x64xf32, #tpu.memory_space<vmem>> -> memref<1x128x64xf32, #tpu.memory_space<vmem>>
    %dma_start3A_327 = tpu.memref_squeeze %dma_start3A_326 : memref<1x128x64xf32, #tpu.memory_space<vmem>> -> memref<128x64xf32, #tpu.memory_space<vmem>>
    %dma_start3A_328 = arith.constant 0 : i32
    %dma_start3A_329 = tpu.memref_slice %arg5[%dma_start3A_322, %dma_start3A_328] : memref<200x128xi32, #tpu.memory_space<vmem>> -> memref<1x128xi32, #tpu.memory_space<vmem>>
    %dma_start3A_330 = tpu.memref_squeeze %dma_start3A_329 : memref<1x128xi32, #tpu.memory_space<vmem>> -> memref<128xi32, #tpu.memory_space<vmem>>
    %dma_start3A_331 = arith.constant 0 : i32
    %dma_start3A_332 = arith.constant 0 : i32
    %dma_start3A_333 = tpu.memref_slice %arg2[%dma_start3A_331, %dma_start3A_332] : memref<1000000x64xf32, #tpu.memory_space<hbm>> -> memref<1000000x64xf32, #tpu.memory_space<hbm>>
    tpu.enqueue_indirect_dma source(%dma_start3A_333 : memref<1000000x64xf32, #tpu.memory_space<hbm>>) target(%dma_start3A_327 : memref<128x64xf32, #tpu.memory_space<vmem>>) offsets(%dma_start3A_330 : memref<128xi32, #tpu.memory_space<vmem>>) semaphore(%arg7 : memref<!tpu.dma_semaphore, #tpu.memory_space<semaphore_mem>>)
    %dma_wait3A_334 = arith.constant 1 : i32
    %dma_wait3A_335 = arith.constant 0 : i32
    %dma_wait3A_336 = arith.constant 0 : i32
    %dma_wait3A_337 = tpu.memref_slice %arg6[%dma_wait3A_334, %dma_wait3A_335, %dma_wait3A_336] : memref<3x512x64xf32, #tpu.memory_space<vmem>> -> memref<1x512x64xf32, #tpu.memory_space<vmem>>
    %dma_wait3A_338 = tpu.memref_squeeze %dma_wait3A_337 : memref<1x512x64xf32, #tpu.memory_space<vmem>> -> memref<512x64xf32, #tpu.memory_space<vmem>>
    %dma_wait3A_339 = arith.constant 0 : i32
    %dma_wait3A_340 = arith.constant 0 : i32
    %dma_wait3A_341 = tpu.memref_slice %arg2[%dma_wait3A_339, %dma_wait3A_340] : memref<1000000x64xf32, #tpu.memory_space<hbm>> -> memref<512x64xf32, #tpu.memory_space<hbm>>
    %dma_wait3A_342 = arith.constant 0 : i32
    %dma_wait3A_343 = arith.constant 0 : i32
    %dma_wait3A_344 = tpu.memref_slice %arg6[%dma_wait3A_334, %dma_wait3A_342, %dma_wait3A_343] : memref<3x512x64xf32, #tpu.memory_space<vmem>> -> memref<1x512x64xf32, #tpu.memory_space<vmem>>
    %dma_wait3A_345 = tpu.memref_squeeze %dma_wait3A_344 : memref<1x512x64xf32, #tpu.memory_space<vmem>> -> memref<512x64xf32, #tpu.memory_space<vmem>>
    %dma_wait3A_346 = arith.constant 0 : i32
    %dma_wait3A_347 = arith.constant 0 : i32
    %dma_wait3A_348 = tpu.memref_slice %arg2[%dma_wait3A_346, %dma_wait3A_347] : memref<1000000x64xf32, #tpu.memory_space<hbm>> -> memref<512x64xf32, #tpu.memory_space<hbm>>
    tpu.wait_dma2 semaphore(%arg11 : memref<!tpu.dma_semaphore, #tpu.memory_space<semaphore_mem>>) src(%dma_wait3A_348 : memref<512x64xf32, #tpu.memory_space<hbm>>) dst(%dma_wait3A_345 : memref<512x64xf32, #tpu.memory_space<vmem>>)
    %dma_start3A_349 = arith.constant 16 : i32
    %dma_start3A_350 = arith.constant 1 : i32
    %dma_start3A_351 = arith.constant 0 : i32
    %dma_start3A_352 = arith.constant 0 : i32
    %dma_start3A_353 = tpu.memref_slice %arg6[%dma_start3A_350, %dma_start3A_351, %dma_start3A_352] : memref<3x512x64xf32, #tpu.memory_space<vmem>> -> memref<1x128x64xf32, #tpu.memory_space<vmem>>
    %dma_start3A_354 = tpu.memref_squeeze %dma_start3A_353 : memref<1x128x64xf32, #tpu.memory_space<vmem>> -> memref<128x64xf32, #tpu.memory_space<vmem>>
    %dma_start3A_355 = arith.constant 0 : i32
    %dma_start3A_356 = tpu.memref_slice %arg5[%dma_start3A_349, %dma_start3A_355] : memref<200x128xi32, #tpu.memory_space<vmem>> -> memref<1x128xi32, #tpu.memory_space<vmem>>
    %dma_start3A_357 = tpu.memref_squeeze %dma_start3A_356 : memref<1x128xi32, #tpu.memory_space<vmem>> -> memref<128xi32, #tpu.memory_space<vmem>>
    %dma_start3A_358 = arith.constant 0 : i32
    %dma_start3A_359 = arith.constant 0 : i32
    %dma_start3A_360 = tpu.memref_slice %arg2[%dma_start3A_358, %dma_start3A_359] : memref<1000000x64xf32, #tpu.memory_space<hbm>> -> memref<1000000x64xf32, #tpu.memory_space<hbm>>
    tpu.enqueue_indirect_dma source(%dma_start3A_360 : memref<1000000x64xf32, #tpu.memory_space<hbm>>) target(%dma_start3A_354 : memref<128x64xf32, #tpu.memory_space<vmem>>) offsets(%dma_start3A_357 : memref<128xi32, #tpu.memory_space<vmem>>) semaphore(%arg8 : memref<!tpu.dma_semaphore, #tpu.memory_space<semaphore_mem>>)
    %dma_start3A_361 = arith.constant 17 : i32
    %dma_start3A_362 = arith.constant 1 : i32
    %dma_start3A_363 = arith.constant 128 : i32
    %dma_start3A_364 = arith.constant 0 : i32
    %dma_start3A_365 = tpu.memref_slice %arg6[%dma_start3A_362, %dma_start3A_363, %dma_start3A_364] : memref<3x512x64xf32, #tpu.memory_space<vmem>> -> memref<1x128x64xf32, #tpu.memory_space<vmem>>
    %dma_start3A_366 = tpu.memref_squeeze %dma_start3A_365 : memref<1x128x64xf32, #tpu.memory_space<vmem>> -> memref<128x64xf32, #tpu.memory_space<vmem>>
    %dma_start3A_367 = arith.constant 0 : i32
    %dma_start3A_368 = tpu.memref_slice %arg5[%dma_start3A_361, %dma_start3A_367] : memref<200x128xi32, #tpu.memory_space<vmem>> -> memref<1x128xi32, #tpu.memory_space<vmem>>
    %dma_start3A_369 = tpu.memref_squeeze %dma_start3A_368 : memref<1x128xi32, #tpu.memory_space<vmem>> -> memref<128xi32, #tpu.memory_space<vmem>>
    %dma_start3A_370 = arith.constant 0 : i32
    %dma_start3A_371 = arith.constant 0 : i32
    %dma_start3A_372 = tpu.memref_slice %arg2[%dma_start3A_370, %dma_start3A_371] : memref<1000000x64xf32, #tpu.memory_space<hbm>> -> memref<1000000x64xf32, #tpu.memory_space<hbm>>
    tpu.enqueue_indirect_dma source(%dma_start3A_372 : memref<1000000x64xf32, #tpu.memory_space<hbm>>) target(%dma_start3A_366 : memref<128x64xf32, #tpu.memory_space<vmem>>) offsets(%dma_start3A_369 : memref<128xi32, #tpu.memory_space<vmem>>) semaphore(%arg8 : memref<!tpu.dma_semaphore, #tpu.memory_space<semaphore_mem>>)
    %dma_start3A_373 = arith.constant 18 : i32
    %dma_start3A_374 = arith.constant 1 : i32
    %dma_start3A_375 = arith.constant 256 : i32
    %dma_start3A_376 = arith.constant 0 : i32
    %dma_start3A_377 = tpu.memref_slice %arg6[%dma_start3A_374, %dma_start3A_375, %dma_start3A_376] : memref<3x512x64xf32, #tpu.memory_space<vmem>> -> memref<1x128x64xf32, #tpu.memory_space<vmem>>
    %dma_start3A_378 = tpu.memref_squeeze %dma_start3A_377 : memref<1x128x64xf32, #tpu.memory_space<vmem>> -> memref<128x64xf32, #tpu.memory_space<vmem>>
    %dma_start3A_379 = arith.constant 0 : i32
    %dma_start3A_380 = tpu.memref_slice %arg5[%dma_start3A_373, %dma_start3A_379] : memref<200x128xi32, #tpu.memory_space<vmem>> -> memref<1x128xi32, #tpu.memory_space<vmem>>
    %dma_start3A_381 = tpu.memref_squeeze %dma_start3A_380 : memref<1x128xi32, #tpu.memory_space<vmem>> -> memref<128xi32, #tpu.memory_space<vmem>>
    %dma_start3A_382 = arith.constant 0 : i32
    %dma_start3A_383 = arith.constant 0 : i32
    %dma_start3A_384 = tpu.memref_slice %arg2[%dma_start3A_382, %dma_start3A_383] : memref<1000000x64xf32, #tpu.memory_space<hbm>> -> memref<1000000x64xf32, #tpu.memory_space<hbm>>
    tpu.enqueue_indirect_dma source(%dma_start3A_384 : memref<1000000x64xf32, #tpu.memory_space<hbm>>) target(%dma_start3A_378 : memref<128x64xf32, #tpu.memory_space<vmem>>) offsets(%dma_start3A_381 : memref<128xi32, #tpu.memory_space<vmem>>) semaphore(%arg8 : memref<!tpu.dma_semaphore, #tpu.memory_space<semaphore_mem>>)
    %dma_start3A_385 = arith.constant 19 : i32
    %dma_start3A_386 = arith.constant 1 : i32
    %dma_start3A_387 = arith.constant 384 : i32
    %dma_start3A_388 = arith.constant 0 : i32
    %dma_start3A_389 = tpu.memref_slice %arg6[%dma_start3A_386, %dma_start3A_387, %dma_start3A_388] : memref<3x512x64xf32, #tpu.memory_space<vmem>> -> memref<1x128x64xf32, #tpu.memory_space<vmem>>
    %dma_start3A_390 = tpu.memref_squeeze %dma_start3A_389 : memref<1x128x64xf32, #tpu.memory_space<vmem>> -> memref<128x64xf32, #tpu.memory_space<vmem>>
    %dma_start3A_391 = arith.constant 0 : i32
    %dma_start3A_392 = tpu.memref_slice %arg5[%dma_start3A_385, %dma_start3A_391] : memref<200x128xi32, #tpu.memory_space<vmem>> -> memref<1x128xi32, #tpu.memory_space<vmem>>
    %dma_start3A_393 = tpu.memref_squeeze %dma_start3A_392 : memref<1x128xi32, #tpu.memory_space<vmem>> -> memref<128xi32, #tpu.memory_space<vmem>>
    %dma_start3A_394 = arith.constant 0 : i32
    %dma_start3A_395 = arith.constant 0 : i32
    %dma_start3A_396 = tpu.memref_slice %arg2[%dma_start3A_394, %dma_start3A_395] : memref<1000000x64xf32, #tpu.memory_space<hbm>> -> memref<1000000x64xf32, #tpu.memory_space<hbm>>
    tpu.enqueue_indirect_dma source(%dma_start3A_396 : memref<1000000x64xf32, #tpu.memory_space<hbm>>) target(%dma_start3A_390 : memref<128x64xf32, #tpu.memory_space<vmem>>) offsets(%dma_start3A_393 : memref<128xi32, #tpu.memory_space<vmem>>) semaphore(%arg8 : memref<!tpu.dma_semaphore, #tpu.memory_space<semaphore_mem>>)
    %dma_wait3A_397 = arith.constant 8 : i32
    %dma_wait3A_398 = arith.constant 2 : i32
    %dma_wait3A_399 = arith.constant 0 : i32
    %dma_wait3A_400 = arith.constant 0 : i32
    %dma_wait3A_401 = tpu.memref_slice %arg6[%dma_wait3A_398, %dma_wait3A_399, %dma_wait3A_400] : memref<3x512x64xf32, #tpu.memory_space<vmem>> -> memref<1x128x64xf32, #tpu.memory_space<vmem>>
    %dma_wait3A_402 = tpu.memref_squeeze %dma_wait3A_401 : memref<1x128x64xf32, #tpu.memory_space<vmem>> -> memref<128x64xf32, #tpu.memory_space<vmem>>
    %dma_wait3A_403 = arith.constant 0 : i32
    %dma_wait3A_404 = tpu.memref_slice %arg5[%dma_wait3A_397, %dma_wait3A_403] : memref<200x128xi32, #tpu.memory_space<vmem>> -> memref<1x128xi32, #tpu.memory_space<vmem>>
    %dma_wait3A_405 = tpu.memref_squeeze %dma_wait3A_404 : memref<1x128xi32, #tpu.memory_space<vmem>> -> memref<128xi32, #tpu.memory_space<vmem>>
    %dma_wait3A_406 = arith.constant 0 : i32
    %dma_wait3A_407 = arith.constant 0 : i32
    %dma_wait3A_408 = tpu.memref_slice %arg2[%dma_wait3A_406, %dma_wait3A_407] : memref<1000000x64xf32, #tpu.memory_space<hbm>> -> memref<1000000x64xf32, #tpu.memory_space<hbm>>
    tpu.wait_indirect_dma semaphore(%arg9 : memref<!tpu.dma_semaphore, #tpu.memory_space<semaphore_mem>>) src(%dma_wait3A_408 : memref<1000000x64xf32, #tpu.memory_space<hbm>>) dst(%dma_wait3A_402 : memref<128x64xf32, #tpu.memory_space<vmem>>)
    %dma_wait3A_409 = arith.constant 9 : i32
    %dma_wait3A_410 = arith.constant 2 : i32
    %dma_wait3A_411 = arith.constant 128 : i32
    %dma_wait3A_412 = arith.constant 0 : i32
    %dma_wait3A_413 = tpu.memref_slice %arg6[%dma_wait3A_410, %dma_wait3A_411, %dma_wait3A_412] : memref<3x512x64xf32, #tpu.memory_space<vmem>> -> memref<1x128x64xf32, #tpu.memory_space<vmem>>
    %dma_wait3A_414 = tpu.memref_squeeze %dma_wait3A_413 : memref<1x128x64xf32, #tpu.memory_space<vmem>> -> memref<128x64xf32, #tpu.memory_space<vmem>>
    %dma_wait3A_415 = arith.constant 0 : i32
    %dma_wait3A_416 = tpu.memref_slice %arg5[%dma_wait3A_409, %dma_wait3A_415] : memref<200x128xi32, #tpu.memory_space<vmem>> -> memref<1x128xi32, #tpu.memory_space<vmem>>
    %dma_wait3A_417 = tpu.memref_squeeze %dma_wait3A_416 : memref<1x128xi32, #tpu.memory_space<vmem>> -> memref<128xi32, #tpu.memory_space<vmem>>
    %dma_wait3A_418 = arith.constant 0 : i32
    %dma_wait3A_419 = arith.constant 0 : i32
    %dma_wait3A_420 = tpu.memref_slice %arg2[%dma_wait3A_418, %dma_wait3A_419] : memref<1000000x64xf32, #tpu.memory_space<hbm>> -> memref<1000000x64xf32, #tpu.memory_space<hbm>>
    tpu.wait_indirect_dma semaphore(%arg9 : memref<!tpu.dma_semaphore, #tpu.memory_space<semaphore_mem>>) src(%dma_wait3A_420 : memref<1000000x64xf32, #tpu.memory_space<hbm>>) dst(%dma_wait3A_414 : memref<128x64xf32, #tpu.memory_space<vmem>>)
    %dma_wait3A_421 = arith.constant 10 : i32
    %dma_wait3A_422 = arith.constant 2 : i32
    %dma_wait3A_423 = arith.constant 256 : i32
    %dma_wait3A_424 = arith.constant 0 : i32
    %dma_wait3A_425 = tpu.memref_slice %arg6[%dma_wait3A_422, %dma_wait3A_423, %dma_wait3A_424] : memref<3x512x64xf32, #tpu.memory_space<vmem>> -> memref<1x128x64xf32, #tpu.memory_space<vmem>>
    %dma_wait3A_426 = tpu.memref_squeeze %dma_wait3A_425 : memref<1x128x64xf32, #tpu.memory_space<vmem>> -> memref<128x64xf32, #tpu.memory_space<vmem>>
    %dma_wait3A_427 = arith.constant 0 : i32
    %dma_wait3A_428 = tpu.memref_slice %arg5[%dma_wait3A_421, %dma_wait3A_427] : memref<200x128xi32, #tpu.memory_space<vmem>> -> memref<1x128xi32, #tpu.memory_space<vmem>>
    %dma_wait3A_429 = tpu.memref_squeeze %dma_wait3A_428 : memref<1x128xi32, #tpu.memory_space<vmem>> -> memref<128xi32, #tpu.memory_space<vmem>>
    %dma_wait3A_430 = arith.constant 0 : i32
    %dma_wait3A_431 = arith.constant 0 : i32
    %dma_wait3A_432 = tpu.memref_slice %arg2[%dma_wait3A_430, %dma_wait3A_431] : memref<1000000x64xf32, #tpu.memory_space<hbm>> -> memref<1000000x64xf32, #tpu.memory_space<hbm>>
    tpu.wait_indirect_dma semaphore(%arg9 : memref<!tpu.dma_semaphore, #tpu.memory_space<semaphore_mem>>) src(%dma_wait3A_432 : memref<1000000x64xf32, #tpu.memory_space<hbm>>) dst(%dma_wait3A_426 : memref<128x64xf32, #tpu.memory_space<vmem>>)
    %dma_wait3A_433 = arith.constant 11 : i32
    %dma_wait3A_434 = arith.constant 2 : i32
    %dma_wait3A_435 = arith.constant 384 : i32
    %dma_wait3A_436 = arith.constant 0 : i32
    %dma_wait3A_437 = tpu.memref_slice %arg6[%dma_wait3A_434, %dma_wait3A_435, %dma_wait3A_436] : memref<3x512x64xf32, #tpu.memory_space<vmem>> -> memref<1x128x64xf32, #tpu.memory_space<vmem>>
    %dma_wait3A_438 = tpu.memref_squeeze %dma_wait3A_437 : memref<1x128x64xf32, #tpu.memory_space<vmem>> -> memref<128x64xf32, #tpu.memory_space<vmem>>
    %dma_wait3A_439 = arith.constant 0 : i32
    %dma_wait3A_440 = tpu.memref_slice %arg5[%dma_wait3A_433, %dma_wait3A_439] : memref<200x128xi32, #tpu.memory_space<vmem>> -> memref<1x128xi32, #tpu.memory_space<vmem>>
    %dma_wait3A_441 = tpu.memref_squeeze %dma_wait3A_440 : memref<1x128xi32, #tpu.memory_space<vmem>> -> memref<128xi32, #tpu.memory_space<vmem>>
    %dma_wait3A_442 = arith.constant 0 : i32
    %dma_wait3A_443 = arith.constant 0 : i32
    %dma_wait3A_444 = tpu.memref_slice %arg2[%dma_wait3A_442, %dma_wait3A_443] : memref<1000000x64xf32, #tpu.memory_space<hbm>> -> memref<1000000x64xf32, #tpu.memory_space<hbm>>
    tpu.wait_indirect_dma semaphore(%arg9 : memref<!tpu.dma_semaphore, #tpu.memory_space<semaphore_mem>>) src(%dma_wait3A_444 : memref<1000000x64xf32, #tpu.memory_space<hbm>>) dst(%dma_wait3A_438 : memref<128x64xf32, #tpu.memory_space<vmem>>)
    %add3A_445 = arith.constant 1024 : i32
    %add3A_446 = arith.addi %mul3A_2, %add3A_445 : i32
    %dma_start3A_447 = arith.constant 2 : i32
    %dma_start3A_448 = arith.constant 0 : i32
    %dma_start3A_449 = arith.constant 0 : i32
    %dma_start3A_450 = tpu.memref_slice %arg6[%dma_start3A_447, %dma_start3A_448, %dma_start3A_449] : memref<3x512x64xf32, #tpu.memory_space<vmem>> -> memref<1x512x64xf32, #tpu.memory_space<vmem>>
    %dma_start3A_451 = tpu.memref_squeeze %dma_start3A_450 : memref<1x512x64xf32, #tpu.memory_space<vmem>> -> memref<512x64xf32, #tpu.memory_space<vmem>>
    %dma_start3A_452 = arith.constant 0 : i32
    %dma_start3A_453 = tpu.memref_slice %arg4[%add3A_446, %dma_start3A_452] : memref<819200x128xf32, #tpu.memory_space<hbm>> -> memref<512x64xf32, #tpu.memory_space<hbm>>
    %dma_start3A_454 = arith.constant 0 : i32
    %dma_start3A_455 = tpu.memref_slice %arg4[%add3A_446, %dma_start3A_454] : memref<819200x128xf32, #tpu.memory_space<hbm>> -> memref<512x64xf32, #tpu.memory_space<hbm>>
    %dma_start3A_456 = arith.constant 0 : i32
    %dma_start3A_457 = arith.constant 0 : i32
    %dma_start3A_458 = tpu.memref_slice %arg6[%dma_start3A_447, %dma_start3A_456, %dma_start3A_457] : memref<3x512x64xf32, #tpu.memory_space<vmem>> -> memref<1x512x64xf32, #tpu.memory_space<vmem>>
    %dma_start3A_459 = tpu.memref_squeeze %dma_start3A_458 : memref<1x512x64xf32, #tpu.memory_space<vmem>> -> memref<512x64xf32, #tpu.memory_space<vmem>>
    tpu.enqueue_dma source(%dma_start3A_459 : memref<512x64xf32, #tpu.memory_space<vmem>>) target(%dma_start3A_455 : memref<512x64xf32, #tpu.memory_space<hbm>>) target_semaphore(%arg12 : memref<!tpu.dma_semaphore, #tpu.memory_space<semaphore_mem>>)
    %dma_wait3A_460 = arith.constant 12 : i32
    %dma_wait3A_461 = arith.constant 0 : i32
    %dma_wait3A_462 = arith.constant 0 : i32
    %dma_wait3A_463 = arith.constant 0 : i32
    %dma_wait3A_464 = tpu.memref_slice %arg6[%dma_wait3A_461, %dma_wait3A_462, %dma_wait3A_463] : memref<3x512x64xf32, #tpu.memory_space<vmem>> -> memref<1x128x64xf32, #tpu.memory_space<vmem>>
    %dma_wait3A_465 = tpu.memref_squeeze %dma_wait3A_464 : memref<1x128x64xf32, #tpu.memory_space<vmem>> -> memref<128x64xf32, #tpu.memory_space<vmem>>
    %dma_wait3A_466 = arith.constant 0 : i32
    %dma_wait3A_467 = tpu.memref_slice %arg5[%dma_wait3A_460, %dma_wait3A_466] : memref<200x128xi32, #tpu.memory_space<vmem>> -> memref<1x128xi32, #tpu.memory_space<vmem>>
    %dma_wait3A_468 = tpu.memref_squeeze %dma_wait3A_467 : memref<1x128xi32, #tpu.memory_space<vmem>> -> memref<128xi32, #tpu.memory_space<vmem>>
    %dma_wait3A_469 = arith.constant 0 : i32
    %dma_wait3A_470 = arith.constant 0 : i32
    %dma_wait3A_471 = tpu.memref_slice %arg2[%dma_wait3A_469, %dma_wait3A_470] : memref<1000000x64xf32, #tpu.memory_space<hbm>> -> memref<1000000x64xf32, #tpu.memory_space<hbm>>
    tpu.wait_indirect_dma semaphore(%arg7 : memref<!tpu.dma_semaphore, #tpu.memory_space<semaphore_mem>>) src(%dma_wait3A_471 : memref<1000000x64xf32, #tpu.memory_space<hbm>>) dst(%dma_wait3A_465 : memref<128x64xf32, #tpu.memory_space<vmem>>)
    %dma_wait3A_472 = arith.constant 13 : i32
    %dma_wait3A_473 = arith.constant 0 : i32
    %dma_wait3A_474 = arith.constant 128 : i32
    %dma_wait3A_475 = arith.constant 0 : i32
    %dma_wait3A_476 = tpu.memref_slice %arg6[%dma_wait3A_473, %dma_wait3A_474, %dma_wait3A_475] : memref<3x512x64xf32, #tpu.memory_space<vmem>> -> memref<1x128x64xf32, #tpu.memory_space<vmem>>
    %dma_wait3A_477 = tpu.memref_squeeze %dma_wait3A_476 : memref<1x128x64xf32, #tpu.memory_space<vmem>> -> memref<128x64xf32, #tpu.memory_space<vmem>>
    %dma_wait3A_478 = arith.constant 0 : i32
    %dma_wait3A_479 = tpu.memref_slice %arg5[%dma_wait3A_472, %dma_wait3A_478] : memref<200x128xi32, #tpu.memory_space<vmem>> -> memref<1x128xi32, #tpu.memory_space<vmem>>
    %dma_wait3A_480 = tpu.memref_squeeze %dma_wait3A_479 : memref<1x128xi32, #tpu.memory_space<vmem>> -> memref<128xi32, #tpu.memory_space<vmem>>
    %dma_wait3A_481 = arith.constant 0 : i32
    %dma_wait3A_482 = arith.constant 0 : i32
    %dma_wait3A_483 = tpu.memref_slice %arg2[%dma_wait3A_481, %dma_wait3A_482] : memref<1000000x64xf32, #tpu.memory_space<hbm>> -> memref<1000000x64xf32, #tpu.memory_space<hbm>>
    tpu.wait_indirect_dma semaphore(%arg7 : memref<!tpu.dma_semaphore, #tpu.memory_space<semaphore_mem>>) src(%dma_wait3A_483 : memref<1000000x64xf32, #tpu.memory_space<hbm>>) dst(%dma_wait3A_477 : memref<128x64xf32, #tpu.memory_space<vmem>>)
    %dma_wait3A_484 = arith.constant 14 : i32
    %dma_wait3A_485 = arith.constant 0 : i32
    %dma_wait3A_486 = arith.constant 256 : i32
    %dma_wait3A_487 = arith.constant 0 : i32
    %dma_wait3A_488 = tpu.memref_slice %arg6[%dma_wait3A_485, %dma_wait3A_486, %dma_wait3A_487] : memref<3x512x64xf32, #tpu.memory_space<vmem>> -> memref<1x128x64xf32, #tpu.memory_space<vmem>>
    %dma_wait3A_489 = tpu.memref_squeeze %dma_wait3A_488 : memref<1x128x64xf32, #tpu.memory_space<vmem>> -> memref<128x64xf32, #tpu.memory_space<vmem>>
    %dma_wait3A_490 = arith.constant 0 : i32
    %dma_wait3A_491 = tpu.memref_slice %arg5[%dma_wait3A_484, %dma_wait3A_490] : memref<200x128xi32, #tpu.memory_space<vmem>> -> memref<1x128xi32, #tpu.memory_space<vmem>>
    %dma_wait3A_492 = tpu.memref_squeeze %dma_wait3A_491 : memref<1x128xi32, #tpu.memory_space<vmem>> -> memref<128xi32, #tpu.memory_space<vmem>>
    %dma_wait3A_493 = arith.constant 0 : i32
    %dma_wait3A_494 = arith.constant 0 : i32
    %dma_wait3A_495 = tpu.memref_slice %arg2[%dma_wait3A_493, %dma_wait3A_494] : memref<1000000x64xf32, #tpu.memory_space<hbm>> -> memref<1000000x64xf32, #tpu.memory_space<hbm>>
    tpu.wait_indirect_dma semaphore(%arg7 : memref<!tpu.dma_semaphore, #tpu.memory_space<semaphore_mem>>) src(%dma_wait3A_495 : memref<1000000x64xf32, #tpu.memory_space<hbm>>) dst(%dma_wait3A_489 : memref<128x64xf32, #tpu.memory_space<vmem>>)
    %dma_wait3A_496 = arith.constant 15 : i32
    %dma_wait3A_497 = arith.constant 0 : i32
    %dma_wait3A_498 = arith.constant 384 : i32
    %dma_wait3A_499 = arith.constant 0 : i32
    %dma_wait3A_500 = tpu.memref_slice %arg6[%dma_wait3A_497, %dma_wait3A_498, %dma_wait3A_499] : memref<3x512x64xf32, #tpu.memory_space<vmem>> -> memref<1x128x64xf32, #tpu.memory_space<vmem>>
    %dma_wait3A_501 = tpu.memref_squeeze %dma_wait3A_500 : memref<1x128x64xf32, #tpu.memory_space<vmem>> -> memref<128x64xf32, #tpu.memory_space<vmem>>
    %dma_wait3A_502 = arith.constant 0 : i32
    %dma_wait3A_503 = tpu.memref_slice %arg5[%dma_wait3A_496, %dma_wait3A_502] : memref<200x128xi32, #tpu.memory_space<vmem>> -> memref<1x128xi32, #tpu.memory_space<vmem>>
    %dma_wait3A_504 = tpu.memref_squeeze %dma_wait3A_503 : memref<1x128xi32, #tpu.memory_space<vmem>> -> memref<128xi32, #tpu.memory_space<vmem>>
    %dma_wait3A_505 = arith.constant 0 : i32
    %dma_wait3A_506 = arith.constant 0 : i32
    %dma_wait3A_507 = tpu.memref_slice %arg2[%dma_wait3A_505, %dma_wait3A_506] : memref<1000000x64xf32, #tpu.memory_space<hbm>> -> memref<1000000x64xf32, #tpu.memory_space<hbm>>
    tpu.wait_indirect_dma semaphore(%arg7 : memref<!tpu.dma_semaphore, #tpu.memory_space<semaphore_mem>>) src(%dma_wait3A_507 : memref<1000000x64xf32, #tpu.memory_space<hbm>>) dst(%dma_wait3A_501 : memref<128x64xf32, #tpu.memory_space<vmem>>)
    %add3A_508 = arith.constant 1536 : i32
    %add3A_509 = arith.addi %mul3A_2, %add3A_508 : i32
    %dma_start3A_510 = arith.constant 0 : i32
    %dma_start3A_511 = arith.constant 0 : i32
    %dma_start3A_512 = arith.constant 0 : i32
    %dma_start3A_513 = tpu.memref_slice %arg6[%dma_start3A_510, %dma_start3A_511, %dma_start3A_512] : memref<3x512x64xf32, #tpu.memory_space<vmem>> -> memref<1x512x64xf32, #tpu.memory_space<vmem>>
    %dma_start3A_514 = tpu.memref_squeeze %dma_start3A_513 : memref<1x512x64xf32, #tpu.memory_space<vmem>> -> memref<512x64xf32, #tpu.memory_space<vmem>>
    %dma_start3A_515 = arith.constant 0 : i32
    %dma_start3A_516 = tpu.memref_slice %arg4[%add3A_509, %dma_start3A_515] : memref<819200x128xf32, #tpu.memory_space<hbm>> -> memref<512x64xf32, #tpu.memory_space<hbm>>
    %dma_start3A_517 = arith.constant 0 : i32
    %dma_start3A_518 = tpu.memref_slice %arg4[%add3A_509, %dma_start3A_517] : memref<819200x128xf32, #tpu.memory_space<hbm>> -> memref<512x64xf32, #tpu.memory_space<hbm>>
    %dma_start3A_519 = arith.constant 0 : i32
    %dma_start3A_520 = arith.constant 0 : i32
    %dma_start3A_521 = tpu.memref_slice %arg6[%dma_start3A_510, %dma_start3A_519, %dma_start3A_520] : memref<3x512x64xf32, #tpu.memory_space<vmem>> -> memref<1x512x64xf32, #tpu.memory_space<vmem>>
    %dma_start3A_522 = tpu.memref_squeeze %dma_start3A_521 : memref<1x512x64xf32, #tpu.memory_space<vmem>> -> memref<512x64xf32, #tpu.memory_space<vmem>>
    tpu.enqueue_dma source(%dma_start3A_522 : memref<512x64xf32, #tpu.memory_space<vmem>>) target(%dma_start3A_518 : memref<512x64xf32, #tpu.memory_space<hbm>>) target_semaphore(%arg10 : memref<!tpu.dma_semaphore, #tpu.memory_space<semaphore_mem>>)
    %dma_wait3A_523 = arith.constant 16 : i32
    %dma_wait3A_524 = arith.constant 1 : i32
    %dma_wait3A_525 = arith.constant 0 : i32
    %dma_wait3A_526 = arith.constant 0 : i32
    %dma_wait3A_527 = tpu.memref_slice %arg6[%dma_wait3A_524, %dma_wait3A_525, %dma_wait3A_526] : memref<3x512x64xf32, #tpu.memory_space<vmem>> -> memref<1x128x64xf32, #tpu.memory_space<vmem>>
    %dma_wait3A_528 = tpu.memref_squeeze %dma_wait3A_527 : memref<1x128x64xf32, #tpu.memory_space<vmem>> -> memref<128x64xf32, #tpu.memory_space<vmem>>
    %dma_wait3A_529 = arith.constant 0 : i32
    %dma_wait3A_530 = tpu.memref_slice %arg5[%dma_wait3A_523, %dma_wait3A_529] : memref<200x128xi32, #tpu.memory_space<vmem>> -> memref<1x128xi32, #tpu.memory_space<vmem>>
    %dma_wait3A_531 = tpu.memref_squeeze %dma_wait3A_530 : memref<1x128xi32, #tpu.memory_space<vmem>> -> memref<128xi32, #tpu.memory_space<vmem>>
    %dma_wait3A_532 = arith.constant 0 : i32
    %dma_wait3A_533 = arith.constant 0 : i32
    %dma_wait3A_534 = tpu.memref_slice %arg2[%dma_wait3A_532, %dma_wait3A_533] : memref<1000000x64xf32, #tpu.memory_space<hbm>> -> memref<1000000x64xf32, #tpu.memory_space<hbm>>
    tpu.wait_indirect_dma semaphore(%arg8 : memref<!tpu.dma_semaphore, #tpu.memory_space<semaphore_mem>>) src(%dma_wait3A_534 : memref<1000000x64xf32, #tpu.memory_space<hbm>>) dst(%dma_wait3A_528 : memref<128x64xf32, #tpu.memory_space<vmem>>)
    %dma_wait3A_535 = arith.constant 17 : i32
    %dma_wait3A_536 = arith.constant 1 : i32
    %dma_wait3A_537 = arith.constant 128 : i32
    %dma_wait3A_538 = arith.constant 0 : i32
    %dma_wait3A_539 = tpu.memref_slice %arg6[%dma_wait3A_536, %dma_wait3A_537, %dma_wait3A_538] : memref<3x512x64xf32, #tpu.memory_space<vmem>> -> memref<1x128x64xf32, #tpu.memory_space<vmem>>
    %dma_wait3A_540 = tpu.memref_squeeze %dma_wait3A_539 : memref<1x128x64xf32, #tpu.memory_space<vmem>> -> memref<128x64xf32, #tpu.memory_space<vmem>>
    %dma_wait3A_541 = arith.constant 0 : i32
    %dma_wait3A_542 = tpu.memref_slice %arg5[%dma_wait3A_535, %dma_wait3A_541] : memref<200x128xi32, #tpu.memory_space<vmem>> -> memref<1x128xi32, #tpu.memory_space<vmem>>
    %dma_wait3A_543 = tpu.memref_squeeze %dma_wait3A_542 : memref<1x128xi32, #tpu.memory_space<vmem>> -> memref<128xi32, #tpu.memory_space<vmem>>
    %dma_wait3A_544 = arith.constant 0 : i32
    %dma_wait3A_545 = arith.constant 0 : i32
    %dma_wait3A_546 = tpu.memref_slice %arg2[%dma_wait3A_544, %dma_wait3A_545] : memref<1000000x64xf32, #tpu.memory_space<hbm>> -> memref<1000000x64xf32, #tpu.memory_space<hbm>>
    tpu.wait_indirect_dma semaphore(%arg8 : memref<!tpu.dma_semaphore, #tpu.memory_space<semaphore_mem>>) src(%dma_wait3A_546 : memref<1000000x64xf32, #tpu.memory_space<hbm>>) dst(%dma_wait3A_540 : memref<128x64xf32, #tpu.memory_space<vmem>>)
    %dma_wait3A_547 = arith.constant 18 : i32
    %dma_wait3A_548 = arith.constant 1 : i32
    %dma_wait3A_549 = arith.constant 256 : i32
    %dma_wait3A_550 = arith.constant 0 : i32
    %dma_wait3A_551 = tpu.memref_slice %arg6[%dma_wait3A_548, %dma_wait3A_549, %dma_wait3A_550] : memref<3x512x64xf32, #tpu.memory_space<vmem>> -> memref<1x128x64xf32, #tpu.memory_space<vmem>>
    %dma_wait3A_552 = tpu.memref_squeeze %dma_wait3A_551 : memref<1x128x64xf32, #tpu.memory_space<vmem>> -> memref<128x64xf32, #tpu.memory_space<vmem>>
    %dma_wait3A_553 = arith.constant 0 : i32
    %dma_wait3A_554 = tpu.memref_slice %arg5[%dma_wait3A_547, %dma_wait3A_553] : memref<200x128xi32, #tpu.memory_space<vmem>> -> memref<1x128xi32, #tpu.memory_space<vmem>>
    %dma_wait3A_555 = tpu.memref_squeeze %dma_wait3A_554 : memref<1x128xi32, #tpu.memory_space<vmem>> -> memref<128xi32, #tpu.memory_space<vmem>>
    %dma_wait3A_556 = arith.constant 0 : i32
    %dma_wait3A_557 = arith.constant 0 : i32
    %dma_wait3A_558 = tpu.memref_slice %arg2[%dma_wait3A_556, %dma_wait3A_557] : memref<1000000x64xf32, #tpu.memory_space<hbm>> -> memref<1000000x64xf32, #tpu.memory_space<hbm>>
    tpu.wait_indirect_dma semaphore(%arg8 : memref<!tpu.dma_semaphore, #tpu.memory_space<semaphore_mem>>) src(%dma_wait3A_558 : memref<1000000x64xf32, #tpu.memory_space<hbm>>) dst(%dma_wait3A_552 : memref<128x64xf32, #tpu.memory_space<vmem>>)
    %dma_wait3A_559 = arith.constant 19 : i32
    %dma_wait3A_560 = arith.constant 1 : i32
    %dma_wait3A_561 = arith.constant 384 : i32
    %dma_wait3A_562 = arith.constant 0 : i32
    %dma_wait3A_563 = tpu.memref_slice %arg6[%dma_wait3A_560, %dma_wait3A_561, %dma_wait3A_562] : memref<3x512x64xf32, #tpu.memory_space<vmem>> -> memref<1x128x64xf32, #tpu.memory_space<vmem>>
    %dma_wait3A_564 = tpu.memref_squeeze %dma_wait3A_563 : memref<1x128x64xf32, #tpu.memory_space<vmem>> -> memref<128x64xf32, #tpu.memory_space<vmem>>
    %dma_wait3A_565 = arith.constant 0 : i32
    %dma_wait3A_566 = tpu.memref_slice %arg5[%dma_wait3A_559, %dma_wait3A_565] : memref<200x128xi32, #tpu.memory_space<vmem>> -> memref<1x128xi32, #tpu.memory_space<vmem>>
    %dma_wait3A_567 = tpu.memref_squeeze %dma_wait3A_566 : memref<1x128xi32, #tpu.memory_space<vmem>> -> memref<128xi32, #tpu.memory_space<vmem>>
    %dma_wait3A_568 = arith.constant 0 : i32
    %dma_wait3A_569 = arith.constant 0 : i32
    %dma_wait3A_570 = tpu.memref_slice %arg2[%dma_wait3A_568, %dma_wait3A_569] : memref<1000000x64xf32, #tpu.memory_space<hbm>> -> memref<1000000x64xf32, #tpu.memory_space<hbm>>
    tpu.wait_indirect_dma semaphore(%arg8 : memref<!tpu.dma_semaphore, #tpu.memory_space<semaphore_mem>>) src(%dma_wait3A_570 : memref<1000000x64xf32, #tpu.memory_space<hbm>>) dst(%dma_wait3A_564 : memref<128x64xf32, #tpu.memory_space<vmem>>)
    %add3A_571 = arith.constant 2048 : i32
    %add3A_572 = arith.addi %mul3A_2, %add3A_571 : i32
    %dma_start3A_573 = arith.constant 1 : i32
    %dma_start3A_574 = arith.constant 0 : i32
    %dma_start3A_575 = arith.constant 0 : i32
    %dma_start3A_576 = tpu.memref_slice %arg6[%dma_start3A_573, %dma_start3A_574, %dma_start3A_575] : memref<3x512x64xf32, #tpu.memory_space<vmem>> -> memref<1x512x64xf32, #tpu.memory_space<vmem>>
    %dma_start3A_577 = tpu.memref_squeeze %dma_start3A_576 : memref<1x512x64xf32, #tpu.memory_space<vmem>> -> memref<512x64xf32, #tpu.memory_space<vmem>>
    %dma_start3A_578 = arith.constant 0 : i32
    %dma_start3A_579 = tpu.memref_slice %arg4[%add3A_572, %dma_start3A_578] : memref<819200x128xf32, #tpu.memory_space<hbm>> -> memref<512x64xf32, #tpu.memory_space<hbm>>
    %dma_start3A_580 = arith.constant 0 : i32
    %dma_start3A_581 = tpu.memref_slice %arg4[%add3A_572, %dma_start3A_580] : memref<819200x128xf32, #tpu.memory_space<hbm>> -> memref<512x64xf32, #tpu.memory_space<hbm>>
    %dma_start3A_582 = arith.constant 0 : i32
    %dma_start3A_583 = arith.constant 0 : i32
    %dma_start3A_584 = tpu.memref_slice %arg6[%dma_start3A_573, %dma_start3A_582, %dma_start3A_583] : memref<3x512x64xf32, #tpu.memory_space<vmem>> -> memref<1x512x64xf32, #tpu.memory_space<vmem>>
    %dma_start3A_585 = tpu.memref_squeeze %dma_start3A_584 : memref<1x512x64xf32, #tpu.memory_space<vmem>> -> memref<512x64xf32, #tpu.memory_space<vmem>>
    tpu.enqueue_dma source(%dma_start3A_585 : memref<512x64xf32, #tpu.memory_space<vmem>>) target(%dma_start3A_581 : memref<512x64xf32, #tpu.memory_space<hbm>>) target_semaphore(%arg11 : memref<!tpu.dma_semaphore, #tpu.memory_space<semaphore_mem>>)
    %scan3A = arith.constant 0 : i32
    %scan3A_586 = arith.constant 1 : i32
    %scan3A_587 = arith.constant 15 : i32
    %scan3A_588 = arith.addi %scan3A_586, %scan3A_587 : i32
    %scan3A_589 = arith.constant 1 : i32
    scf.for %scan3A_636 = %scan3A_586 to %scan3A_588 step %scan3A_589  : i32 {
      %mul3A_637 = arith.constant 3 : i32
      %mul3A_638 = arith.muli %mul3A_637, %scan3A_636 : i32
      %add3A_639 = arith.constant 2 : i32
      %add3A_640 = arith.addi %mul3A_638, %add3A_639 : i32
      %mul3A_641 = arith.constant 3 : i32
      %mul3A_642 = arith.muli %mul3A_641, %scan3A_636 : i32
      %add3A_643 = arith.constant 3 : i32
      %add3A_644 = arith.addi %mul3A_642, %add3A_643 : i32
      %mul3A_645 = arith.constant 3 : i32
      %mul3A_646 = arith.muli %mul3A_645, %scan3A_636 : i32
      %add3A_647 = arith.constant 4 : i32
      %add3A_648 = arith.addi %mul3A_646, %add3A_647 : i32
      %dma_wait3A_649 = arith.constant 2 : i32
      %dma_wait3A_650 = arith.constant 0 : i32
      %dma_wait3A_651 = arith.constant 0 : i32
      %dma_wait3A_652 = tpu.memref_slice %arg6[%dma_wait3A_649, %dma_wait3A_650, %dma_wait3A_651] : memref<3x512x64xf32, #tpu.memory_space<vmem>> -> memref<1x512x64xf32, #tpu.memory_space<vmem>>
      %dma_wait3A_653 = tpu.memref_squeeze %dma_wait3A_652 : memref<1x512x64xf32, #tpu.memory_space<vmem>> -> memref<512x64xf32, #tpu.memory_space<vmem>>
      %dma_wait3A_654 = arith.constant 0 : i32
      %dma_wait3A_655 = arith.constant 0 : i32
      %dma_wait3A_656 = tpu.memref_slice %arg2[%dma_wait3A_654, %dma_wait3A_655] : memref<1000000x64xf32, #tpu.memory_space<hbm>> -> memref<512x64xf32, #tpu.memory_space<hbm>>
      %dma_wait3A_657 = arith.constant 0 : i32
      %dma_wait3A_658 = arith.constant 0 : i32
      %dma_wait3A_659 = tpu.memref_slice %arg6[%dma_wait3A_649, %dma_wait3A_657, %dma_wait3A_658] : memref<3x512x64xf32, #tpu.memory_space<vmem>> -> memref<1x512x64xf32, #tpu.memory_space<vmem>>
      %dma_wait3A_660 = tpu.memref_squeeze %dma_wait3A_659 : memref<1x512x64xf32, #tpu.memory_space<vmem>> -> memref<512x64xf32, #tpu.memory_space<vmem>>
      %dma_wait3A_661 = arith.constant 0 : i32
      %dma_wait3A_662 = arith.constant 0 : i32
      %dma_wait3A_663 = tpu.memref_slice %arg2[%dma_wait3A_661, %dma_wait3A_662] : memref<1000000x64xf32, #tpu.memory_space<hbm>> -> memref<512x64xf32, #tpu.memory_space<hbm>>
      tpu.wait_dma2 semaphore(%arg12 : memref<!tpu.dma_semaphore, #tpu.memory_space<semaphore_mem>>) src(%dma_wait3A_663 : memref<512x64xf32, #tpu.memory_space<hbm>>) dst(%dma_wait3A_660 : memref<512x64xf32, #tpu.memory_space<vmem>>)
      %mul3A_664 = arith.constant 4 : i32
      %mul3A_665 = arith.muli %add3A_640, %mul3A_664 : i32
      %add3A_666 = arith.constant 0 : i32
      %add3A_667 = arith.addi %mul3A_665, %add3A_666 : i32
      %dma_start3A_668 = arith.constant 2 : i32
      %dma_start3A_669 = arith.constant 0 : i32
      %dma_start3A_670 = arith.constant 0 : i32
      %dma_start3A_671 = tpu.memref_slice %arg6[%dma_start3A_668, %dma_start3A_669, %dma_start3A_670] : memref<3x512x64xf32, #tpu.memory_space<vmem>> -> memref<1x128x64xf32, #tpu.memory_space<vmem>>
      %dma_start3A_672 = tpu.memref_squeeze %dma_start3A_671 : memref<1x128x64xf32, #tpu.memory_space<vmem>> -> memref<128x64xf32, #tpu.memory_space<vmem>>
      %dma_start3A_673 = arith.constant 0 : i32
      %dma_start3A_674 = tpu.memref_slice %arg5[%add3A_667, %dma_start3A_673] : memref<200x128xi32, #tpu.memory_space<vmem>> -> memref<1x128xi32, #tpu.memory_space<vmem>>
      %dma_start3A_675 = tpu.memref_squeeze %dma_start3A_674 : memref<1x128xi32, #tpu.memory_space<vmem>> -> memref<128xi32, #tpu.memory_space<vmem>>
      %dma_start3A_676 = arith.constant 0 : i32
      %dma_start3A_677 = arith.constant 0 : i32
      %dma_start3A_678 = tpu.memref_slice %arg2[%dma_start3A_676, %dma_start3A_677] : memref<1000000x64xf32, #tpu.memory_space<hbm>> -> memref<1000000x64xf32, #tpu.memory_space<hbm>>
      tpu.enqueue_indirect_dma source(%dma_start3A_678 : memref<1000000x64xf32, #tpu.memory_space<hbm>>) target(%dma_start3A_672 : memref<128x64xf32, #tpu.memory_space<vmem>>) offsets(%dma_start3A_675 : memref<128xi32, #tpu.memory_space<vmem>>) semaphore(%arg9 : memref<!tpu.dma_semaphore, #tpu.memory_space<semaphore_mem>>)
      %mul3A_679 = arith.constant 4 : i32
      %mul3A_680 = arith.muli %add3A_640, %mul3A_679 : i32
      %add3A_681 = arith.constant 1 : i32
      %add3A_682 = arith.addi %mul3A_680, %add3A_681 : i32
      %dma_start3A_683 = arith.constant 2 : i32
      %dma_start3A_684 = arith.constant 128 : i32
      %dma_start3A_685 = arith.constant 0 : i32
      %dma_start3A_686 = tpu.memref_slice %arg6[%dma_start3A_683, %dma_start3A_684, %dma_start3A_685] : memref<3x512x64xf32, #tpu.memory_space<vmem>> -> memref<1x128x64xf32, #tpu.memory_space<vmem>>
      %dma_start3A_687 = tpu.memref_squeeze %dma_start3A_686 : memref<1x128x64xf32, #tpu.memory_space<vmem>> -> memref<128x64xf32, #tpu.memory_space<vmem>>
      %dma_start3A_688 = arith.constant 0 : i32
      %dma_start3A_689 = tpu.memref_slice %arg5[%add3A_682, %dma_start3A_688] : memref<200x128xi32, #tpu.memory_space<vmem>> -> memref<1x128xi32, #tpu.memory_space<vmem>>
      %dma_start3A_690 = tpu.memref_squeeze %dma_start3A_689 : memref<1x128xi32, #tpu.memory_space<vmem>> -> memref<128xi32, #tpu.memory_space<vmem>>
      %dma_start3A_691 = arith.constant 0 : i32
      %dma_start3A_692 = arith.constant 0 : i32
      %dma_start3A_693 = tpu.memref_slice %arg2[%dma_start3A_691, %dma_start3A_692] : memref<1000000x64xf32, #tpu.memory_space<hbm>> -> memref<1000000x64xf32, #tpu.memory_space<hbm>>
      tpu.enqueue_indirect_dma source(%dma_start3A_693 : memref<1000000x64xf32, #tpu.memory_space<hbm>>) target(%dma_start3A_687 : memref<128x64xf32, #tpu.memory_space<vmem>>) offsets(%dma_start3A_690 : memref<128xi32, #tpu.memory_space<vmem>>) semaphore(%arg9 : memref<!tpu.dma_semaphore, #tpu.memory_space<semaphore_mem>>)
      %mul3A_694 = arith.constant 4 : i32
      %mul3A_695 = arith.muli %add3A_640, %mul3A_694 : i32
      %add3A_696 = arith.constant 2 : i32
      %add3A_697 = arith.addi %mul3A_695, %add3A_696 : i32
      %dma_start3A_698 = arith.constant 2 : i32
      %dma_start3A_699 = arith.constant 256 : i32
      %dma_start3A_700 = arith.constant 0 : i32
      %dma_start3A_701 = tpu.memref_slice %arg6[%dma_start3A_698, %dma_start3A_699, %dma_start3A_700] : memref<3x512x64xf32, #tpu.memory_space<vmem>> -> memref<1x128x64xf32, #tpu.memory_space<vmem>>
      %dma_start3A_702 = tpu.memref_squeeze %dma_start3A_701 : memref<1x128x64xf32, #tpu.memory_space<vmem>> -> memref<128x64xf32, #tpu.memory_space<vmem>>
      %dma_start3A_703 = arith.constant 0 : i32
      %dma_start3A_704 = tpu.memref_slice %arg5[%add3A_697, %dma_start3A_703] : memref<200x128xi32, #tpu.memory_space<vmem>> -> memref<1x128xi32, #tpu.memory_space<vmem>>
      %dma_start3A_705 = tpu.memref_squeeze %dma_start3A_704 : memref<1x128xi32, #tpu.memory_space<vmem>> -> memref<128xi32, #tpu.memory_space<vmem>>
      %dma_start3A_706 = arith.constant 0 : i32
      %dma_start3A_707 = arith.constant 0 : i32
      %dma_start3A_708 = tpu.memref_slice %arg2[%dma_start3A_706, %dma_start3A_707] : memref<1000000x64xf32, #tpu.memory_space<hbm>> -> memref<1000000x64xf32, #tpu.memory_space<hbm>>
      tpu.enqueue_indirect_dma source(%dma_start3A_708 : memref<1000000x64xf32, #tpu.memory_space<hbm>>) target(%dma_start3A_702 : memref<128x64xf32, #tpu.memory_space<vmem>>) offsets(%dma_start3A_705 : memref<128xi32, #tpu.memory_space<vmem>>) semaphore(%arg9 : memref<!tpu.dma_semaphore, #tpu.memory_space<semaphore_mem>>)
      %mul3A_709 = arith.constant 4 : i32
      %mul3A_710 = arith.muli %add3A_640, %mul3A_709 : i32
      %add3A_711 = arith.constant 3 : i32
      %add3A_712 = arith.addi %mul3A_710, %add3A_711 : i32
      %dma_start3A_713 = arith.constant 2 : i32
      %dma_start3A_714 = arith.constant 384 : i32
      %dma_start3A_715 = arith.constant 0 : i32
      %dma_start3A_716 = tpu.memref_slice %arg6[%dma_start3A_713, %dma_start3A_714, %dma_start3A_715] : memref<3x512x64xf32, #tpu.memory_space<vmem>> -> memref<1x128x64xf32, #tpu.memory_space<vmem>>
      %dma_start3A_717 = tpu.memref_squeeze %dma_start3A_716 : memref<1x128x64xf32, #tpu.memory_space<vmem>> -> memref<128x64xf32, #tpu.memory_space<vmem>>
      %dma_start3A_718 = arith.constant 0 : i32
      %dma_start3A_719 = tpu.memref_slice %arg5[%add3A_712, %dma_start3A_718] : memref<200x128xi32, #tpu.memory_space<vmem>> -> memref<1x128xi32, #tpu.memory_space<vmem>>
      %dma_start3A_720 = tpu.memref_squeeze %dma_start3A_719 : memref<1x128xi32, #tpu.memory_space<vmem>> -> memref<128xi32, #tpu.memory_space<vmem>>
      %dma_start3A_721 = arith.constant 0 : i32
      %dma_start3A_722 = arith.constant 0 : i32
      %dma_start3A_723 = tpu.memref_slice %arg2[%dma_start3A_721, %dma_start3A_722] : memref<1000000x64xf32, #tpu.memory_space<hbm>> -> memref<1000000x64xf32, #tpu.memory_space<hbm>>
      tpu.enqueue_indirect_dma source(%dma_start3A_723 : memref<1000000x64xf32, #tpu.memory_space<hbm>>) target(%dma_start3A_717 : memref<128x64xf32, #tpu.memory_space<vmem>>) offsets(%dma_start3A_720 : memref<128xi32, #tpu.memory_space<vmem>>) semaphore(%arg9 : memref<!tpu.dma_semaphore, #tpu.memory_space<semaphore_mem>>)
      %dma_wait3A_724 = arith.constant 0 : i32
      %dma_wait3A_725 = arith.constant 0 : i32
      %dma_wait3A_726 = arith.constant 0 : i32
      %dma_wait3A_727 = tpu.memref_slice %arg6[%dma_wait3A_724, %dma_wait3A_725, %dma_wait3A_726] : memref<3x512x64xf32, #tpu.memory_space<vmem>> -> memref<1x512x64xf32, #tpu.memory_space<vmem>>
      %dma_wait3A_728 = tpu.memref_squeeze %dma_wait3A_727 : memref<1x512x64xf32, #tpu.memory_space<vmem>> -> memref<512x64xf32, #tpu.memory_space<vmem>>
      %dma_wait3A_729 = arith.constant 0 : i32
      %dma_wait3A_730 = arith.constant 0 : i32
      %dma_wait3A_731 = tpu.memref_slice %arg2[%dma_wait3A_729, %dma_wait3A_730] : memref<1000000x64xf32, #tpu.memory_space<hbm>> -> memref<512x64xf32, #tpu.memory_space<hbm>>
      %dma_wait3A_732 = arith.constant 0 : i32
      %dma_wait3A_733 = arith.constant 0 : i32
      %dma_wait3A_734 = tpu.memref_slice %arg6[%dma_wait3A_724, %dma_wait3A_732, %dma_wait3A_733] : memref<3x512x64xf32, #tpu.memory_space<vmem>> -> memref<1x512x64xf32, #tpu.memory_space<vmem>>
      %dma_wait3A_735 = tpu.memref_squeeze %dma_wait3A_734 : memref<1x512x64xf32, #tpu.memory_space<vmem>> -> memref<512x64xf32, #tpu.memory_space<vmem>>
      %dma_wait3A_736 = arith.constant 0 : i32
      %dma_wait3A_737 = arith.constant 0 : i32
      %dma_wait3A_738 = tpu.memref_slice %arg2[%dma_wait3A_736, %dma_wait3A_737] : memref<1000000x64xf32, #tpu.memory_space<hbm>> -> memref<512x64xf32, #tpu.memory_space<hbm>>
      tpu.wait_dma2 semaphore(%arg10 : memref<!tpu.dma_semaphore, #tpu.memory_space<semaphore_mem>>) src(%dma_wait3A_738 : memref<512x64xf32, #tpu.memory_space<hbm>>) dst(%dma_wait3A_735 : memref<512x64xf32, #tpu.memory_space<vmem>>)
      %mul3A_739 = arith.constant 4 : i32
      %mul3A_740 = arith.muli %add3A_644, %mul3A_739 : i32
      %add3A_741 = arith.constant 0 : i32
      %add3A_742 = arith.addi %mul3A_740, %add3A_741 : i32
      %dma_start3A_743 = arith.constant 0 : i32
      %dma_start3A_744 = arith.constant 0 : i32
      %dma_start3A_745 = arith.constant 0 : i32
      %dma_start3A_746 = tpu.memref_slice %arg6[%dma_start3A_743, %dma_start3A_744, %dma_start3A_745] : memref<3x512x64xf32, #tpu.memory_space<vmem>> -> memref<1x128x64xf32, #tpu.memory_space<vmem>>
      %dma_start3A_747 = tpu.memref_squeeze %dma_start3A_746 : memref<1x128x64xf32, #tpu.memory_space<vmem>> -> memref<128x64xf32, #tpu.memory_space<vmem>>
      %dma_start3A_748 = arith.constant 0 : i32
      %dma_start3A_749 = tpu.memref_slice %arg5[%add3A_742, %dma_start3A_748] : memref<200x128xi32, #tpu.memory_space<vmem>> -> memref<1x128xi32, #tpu.memory_space<vmem>>
      %dma_start3A_750 = tpu.memref_squeeze %dma_start3A_749 : memref<1x128xi32, #tpu.memory_space<vmem>> -> memref<128xi32, #tpu.memory_space<vmem>>
      %dma_start3A_751 = arith.constant 0 : i32
      %dma_start3A_752 = arith.constant 0 : i32
      %dma_start3A_753 = tpu.memref_slice %arg2[%dma_start3A_751, %dma_start3A_752] : memref<1000000x64xf32, #tpu.memory_space<hbm>> -> memref<1000000x64xf32, #tpu.memory_space<hbm>>
      tpu.enqueue_indirect_dma source(%dma_start3A_753 : memref<1000000x64xf32, #tpu.memory_space<hbm>>) target(%dma_start3A_747 : memref<128x64xf32, #tpu.memory_space<vmem>>) offsets(%dma_start3A_750 : memref<128xi32, #tpu.memory_space<vmem>>) semaphore(%arg7 : memref<!tpu.dma_semaphore, #tpu.memory_space<semaphore_mem>>)
      %mul3A_754 = arith.constant 4 : i32
      %mul3A_755 = arith.muli %add3A_644, %mul3A_754 : i32
      %add3A_756 = arith.constant 1 : i32
      %add3A_757 = arith.addi %mul3A_755, %add3A_756 : i32
      %dma_start3A_758 = arith.constant 0 : i32
      %dma_start3A_759 = arith.constant 128 : i32
      %dma_start3A_760 = arith.constant 0 : i32
      %dma_start3A_761 = tpu.memref_slice %arg6[%dma_start3A_758, %dma_start3A_759, %dma_start3A_760] : memref<3x512x64xf32, #tpu.memory_space<vmem>> -> memref<1x128x64xf32, #tpu.memory_space<vmem>>
      %dma_start3A_762 = tpu.memref_squeeze %dma_start3A_761 : memref<1x128x64xf32, #tpu.memory_space<vmem>> -> memref<128x64xf32, #tpu.memory_space<vmem>>
      %dma_start3A_763 = arith.constant 0 : i32
      %dma_start3A_764 = tpu.memref_slice %arg5[%add3A_757, %dma_start3A_763] : memref<200x128xi32, #tpu.memory_space<vmem>> -> memref<1x128xi32, #tpu.memory_space<vmem>>
      %dma_start3A_765 = tpu.memref_squeeze %dma_start3A_764 : memref<1x128xi32, #tpu.memory_space<vmem>> -> memref<128xi32, #tpu.memory_space<vmem>>
      %dma_start3A_766 = arith.constant 0 : i32
      %dma_start3A_767 = arith.constant 0 : i32
      %dma_start3A_768 = tpu.memref_slice %arg2[%dma_start3A_766, %dma_start3A_767] : memref<1000000x64xf32, #tpu.memory_space<hbm>> -> memref<1000000x64xf32, #tpu.memory_space<hbm>>
      tpu.enqueue_indirect_dma source(%dma_start3A_768 : memref<1000000x64xf32, #tpu.memory_space<hbm>>) target(%dma_start3A_762 : memref<128x64xf32, #tpu.memory_space<vmem>>) offsets(%dma_start3A_765 : memref<128xi32, #tpu.memory_space<vmem>>) semaphore(%arg7 : memref<!tpu.dma_semaphore, #tpu.memory_space<semaphore_mem>>)
      %mul3A_769 = arith.constant 4 : i32
      %mul3A_770 = arith.muli %add3A_644, %mul3A_769 : i32
      %add3A_771 = arith.constant 2 : i32
      %add3A_772 = arith.addi %mul3A_770, %add3A_771 : i32
      %dma_start3A_773 = arith.constant 0 : i32
      %dma_start3A_774 = arith.constant 256 : i32
      %dma_start3A_775 = arith.constant 0 : i32
      %dma_start3A_776 = tpu.memref_slice %arg6[%dma_start3A_773, %dma_start3A_774, %dma_start3A_775] : memref<3x512x64xf32, #tpu.memory_space<vmem>> -> memref<1x128x64xf32, #tpu.memory_space<vmem>>
      %dma_start3A_777 = tpu.memref_squeeze %dma_start3A_776 : memref<1x128x64xf32, #tpu.memory_space<vmem>> -> memref<128x64xf32, #tpu.memory_space<vmem>>
      %dma_start3A_778 = arith.constant 0 : i32
      %dma_start3A_779 = tpu.memref_slice %arg5[%add3A_772, %dma_start3A_778] : memref<200x128xi32, #tpu.memory_space<vmem>> -> memref<1x128xi32, #tpu.memory_space<vmem>>
      %dma_start3A_780 = tpu.memref_squeeze %dma_start3A_779 : memref<1x128xi32, #tpu.memory_space<vmem>> -> memref<128xi32, #tpu.memory_space<vmem>>
      %dma_start3A_781 = arith.constant 0 : i32
      %dma_start3A_782 = arith.constant 0 : i32
      %dma_start3A_783 = tpu.memref_slice %arg2[%dma_start3A_781, %dma_start3A_782] : memref<1000000x64xf32, #tpu.memory_space<hbm>> -> memref<1000000x64xf32, #tpu.memory_space<hbm>>
      tpu.enqueue_indirect_dma source(%dma_start3A_783 : memref<1000000x64xf32, #tpu.memory_space<hbm>>) target(%dma_start3A_777 : memref<128x64xf32, #tpu.memory_space<vmem>>) offsets(%dma_start3A_780 : memref<128xi32, #tpu.memory_space<vmem>>) semaphore(%arg7 : memref<!tpu.dma_semaphore, #tpu.memory_space<semaphore_mem>>)
      %mul3A_784 = arith.constant 4 : i32
      %mul3A_785 = arith.muli %add3A_644, %mul3A_784 : i32
      %add3A_786 = arith.constant 3 : i32
      %add3A_787 = arith.addi %mul3A_785, %add3A_786 : i32
      %dma_start3A_788 = arith.constant 0 : i32
      %dma_start3A_789 = arith.constant 384 : i32
      %dma_start3A_790 = arith.constant 0 : i32
      %dma_start3A_791 = tpu.memref_slice %arg6[%dma_start3A_788, %dma_start3A_789, %dma_start3A_790] : memref<3x512x64xf32, #tpu.memory_space<vmem>> -> memref<1x128x64xf32, #tpu.memory_space<vmem>>
      %dma_start3A_792 = tpu.memref_squeeze %dma_start3A_791 : memref<1x128x64xf32, #tpu.memory_space<vmem>> -> memref<128x64xf32, #tpu.memory_space<vmem>>
      %dma_start3A_793 = arith.constant 0 : i32
      %dma_start3A_794 = tpu.memref_slice %arg5[%add3A_787, %dma_start3A_793] : memref<200x128xi32, #tpu.memory_space<vmem>> -> memref<1x128xi32, #tpu.memory_space<vmem>>
      %dma_start3A_795 = tpu.memref_squeeze %dma_start3A_794 : memref<1x128xi32, #tpu.memory_space<vmem>> -> memref<128xi32, #tpu.memory_space<vmem>>
      %dma_start3A_796 = arith.constant 0 : i32
      %dma_start3A_797 = arith.constant 0 : i32
      %dma_start3A_798 = tpu.memref_slice %arg2[%dma_start3A_796, %dma_start3A_797] : memref<1000000x64xf32, #tpu.memory_space<hbm>> -> memref<1000000x64xf32, #tpu.memory_space<hbm>>
      tpu.enqueue_indirect_dma source(%dma_start3A_798 : memref<1000000x64xf32, #tpu.memory_space<hbm>>) target(%dma_start3A_792 : memref<128x64xf32, #tpu.memory_space<vmem>>) offsets(%dma_start3A_795 : memref<128xi32, #tpu.memory_space<vmem>>) semaphore(%arg7 : memref<!tpu.dma_semaphore, #tpu.memory_space<semaphore_mem>>)
      %dma_wait3A_799 = arith.constant 1 : i32
      %dma_wait3A_800 = arith.constant 0 : i32
      %dma_wait3A_801 = arith.constant 0 : i32
      %dma_wait3A_802 = tpu.memref_slice %arg6[%dma_wait3A_799, %dma_wait3A_800, %dma_wait3A_801] : memref<3x512x64xf32, #tpu.memory_space<vmem>> -> memref<1x512x64xf32, #tpu.memory_space<vmem>>
      %dma_wait3A_803 = tpu.memref_squeeze %dma_wait3A_802 : memref<1x512x64xf32, #tpu.memory_space<vmem>> -> memref<512x64xf32, #tpu.memory_space<vmem>>
      %dma_wait3A_804 = arith.constant 0 : i32
      %dma_wait3A_805 = arith.constant 0 : i32
      %dma_wait3A_806 = tpu.memref_slice %arg2[%dma_wait3A_804, %dma_wait3A_805] : memref<1000000x64xf32, #tpu.memory_space<hbm>> -> memref<512x64xf32, #tpu.memory_space<hbm>>
      %dma_wait3A_807 = arith.constant 0 : i32
      %dma_wait3A_808 = arith.constant 0 : i32
      %dma_wait3A_809 = tpu.memref_slice %arg6[%dma_wait3A_799, %dma_wait3A_807, %dma_wait3A_808] : memref<3x512x64xf32, #tpu.memory_space<vmem>> -> memref<1x512x64xf32, #tpu.memory_space<vmem>>
      %dma_wait3A_810 = tpu.memref_squeeze %dma_wait3A_809 : memref<1x512x64xf32, #tpu.memory_space<vmem>> -> memref<512x64xf32, #tpu.memory_space<vmem>>
      %dma_wait3A_811 = arith.constant 0 : i32
      %dma_wait3A_812 = arith.constant 0 : i32
      %dma_wait3A_813 = tpu.memref_slice %arg2[%dma_wait3A_811, %dma_wait3A_812] : memref<1000000x64xf32, #tpu.memory_space<hbm>> -> memref<512x64xf32, #tpu.memory_space<hbm>>
      tpu.wait_dma2 semaphore(%arg11 : memref<!tpu.dma_semaphore, #tpu.memory_space<semaphore_mem>>) src(%dma_wait3A_813 : memref<512x64xf32, #tpu.memory_space<hbm>>) dst(%dma_wait3A_810 : memref<512x64xf32, #tpu.memory_space<vmem>>)
      %mul3A_814 = arith.constant 4 : i32
      %mul3A_815 = arith.muli %add3A_648, %mul3A_814 : i32
      %add3A_816 = arith.constant 0 : i32
      %add3A_817 = arith.addi %mul3A_815, %add3A_816 : i32
      %dma_start3A_818 = arith.constant 1 : i32
      %dma_start3A_819 = arith.constant 0 : i32
      %dma_start3A_820 = arith.constant 0 : i32
      %dma_start3A_821 = tpu.memref_slice %arg6[%dma_start3A_818, %dma_start3A_819, %dma_start3A_820] : memref<3x512x64xf32, #tpu.memory_space<vmem>> -> memref<1x128x64xf32, #tpu.memory_space<vmem>>
      %dma_start3A_822 = tpu.memref_squeeze %dma_start3A_821 : memref<1x128x64xf32, #tpu.memory_space<vmem>> -> memref<128x64xf32, #tpu.memory_space<vmem>>
      %dma_start3A_823 = arith.constant 0 : i32
      %dma_start3A_824 = tpu.memref_slice %arg5[%add3A_817, %dma_start3A_823] : memref<200x128xi32, #tpu.memory_space<vmem>> -> memref<1x128xi32, #tpu.memory_space<vmem>>
      %dma_start3A_825 = tpu.memref_squeeze %dma_start3A_824 : memref<1x128xi32, #tpu.memory_space<vmem>> -> memref<128xi32, #tpu.memory_space<vmem>>
      %dma_start3A_826 = arith.constant 0 : i32
      %dma_start3A_827 = arith.constant 0 : i32
      %dma_start3A_828 = tpu.memref_slice %arg2[%dma_start3A_826, %dma_start3A_827] : memref<1000000x64xf32, #tpu.memory_space<hbm>> -> memref<1000000x64xf32, #tpu.memory_space<hbm>>
      tpu.enqueue_indirect_dma source(%dma_start3A_828 : memref<1000000x64xf32, #tpu.memory_space<hbm>>) target(%dma_start3A_822 : memref<128x64xf32, #tpu.memory_space<vmem>>) offsets(%dma_start3A_825 : memref<128xi32, #tpu.memory_space<vmem>>) semaphore(%arg8 : memref<!tpu.dma_semaphore, #tpu.memory_space<semaphore_mem>>)
      %mul3A_829 = arith.constant 4 : i32
      %mul3A_830 = arith.muli %add3A_648, %mul3A_829 : i32
      %add3A_831 = arith.constant 1 : i32
      %add3A_832 = arith.addi %mul3A_830, %add3A_831 : i32
      %dma_start3A_833 = arith.constant 1 : i32
      %dma_start3A_834 = arith.constant 128 : i32
      %dma_start3A_835 = arith.constant 0 : i32
      %dma_start3A_836 = tpu.memref_slice %arg6[%dma_start3A_833, %dma_start3A_834, %dma_start3A_835] : memref<3x512x64xf32, #tpu.memory_space<vmem>> -> memref<1x128x64xf32, #tpu.memory_space<vmem>>
      %dma_start3A_837 = tpu.memref_squeeze %dma_start3A_836 : memref<1x128x64xf32, #tpu.memory_space<vmem>> -> memref<128x64xf32, #tpu.memory_space<vmem>>
      %dma_start3A_838 = arith.constant 0 : i32
      %dma_start3A_839 = tpu.memref_slice %arg5[%add3A_832, %dma_start3A_838] : memref<200x128xi32, #tpu.memory_space<vmem>> -> memref<1x128xi32, #tpu.memory_space<vmem>>
      %dma_start3A_840 = tpu.memref_squeeze %dma_start3A_839 : memref<1x128xi32, #tpu.memory_space<vmem>> -> memref<128xi32, #tpu.memory_space<vmem>>
      %dma_start3A_841 = arith.constant 0 : i32
      %dma_start3A_842 = arith.constant 0 : i32
      %dma_start3A_843 = tpu.memref_slice %arg2[%dma_start3A_841, %dma_start3A_842] : memref<1000000x64xf32, #tpu.memory_space<hbm>> -> memref<1000000x64xf32, #tpu.memory_space<hbm>>
      tpu.enqueue_indirect_dma source(%dma_start3A_843 : memref<1000000x64xf32, #tpu.memory_space<hbm>>) target(%dma_start3A_837 : memref<128x64xf32, #tpu.memory_space<vmem>>) offsets(%dma_start3A_840 : memref<128xi32, #tpu.memory_space<vmem>>) semaphore(%arg8 : memref<!tpu.dma_semaphore, #tpu.memory_space<semaphore_mem>>)
      %mul3A_844 = arith.constant 4 : i32
      %mul3A_845 = arith.muli %add3A_648, %mul3A_844 : i32
      %add3A_846 = arith.constant 2 : i32
      %add3A_847 = arith.addi %mul3A_845, %add3A_846 : i32
      %dma_start3A_848 = arith.constant 1 : i32
      %dma_start3A_849 = arith.constant 256 : i32
      %dma_start3A_850 = arith.constant 0 : i32
      %dma_start3A_851 = tpu.memref_slice %arg6[%dma_start3A_848, %dma_start3A_849, %dma_start3A_850] : memref<3x512x64xf32, #tpu.memory_space<vmem>> -> memref<1x128x64xf32, #tpu.memory_space<vmem>>
      %dma_start3A_852 = tpu.memref_squeeze %dma_start3A_851 : memref<1x128x64xf32, #tpu.memory_space<vmem>> -> memref<128x64xf32, #tpu.memory_space<vmem>>
      %dma_start3A_853 = arith.constant 0 : i32
      %dma_start3A_854 = tpu.memref_slice %arg5[%add3A_847, %dma_start3A_853] : memref<200x128xi32, #tpu.memory_space<vmem>> -> memref<1x128xi32, #tpu.memory_space<vmem>>
      %dma_start3A_855 = tpu.memref_squeeze %dma_start3A_854 : memref<1x128xi32, #tpu.memory_space<vmem>> -> memref<128xi32, #tpu.memory_space<vmem>>
      %dma_start3A_856 = arith.constant 0 : i32
      %dma_start3A_857 = arith.constant 0 : i32
      %dma_start3A_858 = tpu.memref_slice %arg2[%dma_start3A_856, %dma_start3A_857] : memref<1000000x64xf32, #tpu.memory_space<hbm>> -> memref<1000000x64xf32, #tpu.memory_space<hbm>>
      tpu.enqueue_indirect_dma source(%dma_start3A_858 : memref<1000000x64xf32, #tpu.memory_space<hbm>>) target(%dma_start3A_852 : memref<128x64xf32, #tpu.memory_space<vmem>>) offsets(%dma_start3A_855 : memref<128xi32, #tpu.memory_space<vmem>>) semaphore(%arg8 : memref<!tpu.dma_semaphore, #tpu.memory_space<semaphore_mem>>)
      %mul3A_859 = arith.constant 4 : i32
      %mul3A_860 = arith.muli %add3A_648, %mul3A_859 : i32
      %add3A_861 = arith.constant 3 : i32
      %add3A_862 = arith.addi %mul3A_860, %add3A_861 : i32
      %dma_start3A_863 = arith.constant 1 : i32
      %dma_start3A_864 = arith.constant 384 : i32
      %dma_start3A_865 = arith.constant 0 : i32
      %dma_start3A_866 = tpu.memref_slice %arg6[%dma_start3A_863, %dma_start3A_864, %dma_start3A_865] : memref<3x512x64xf32, #tpu.memory_space<vmem>> -> memref<1x128x64xf32, #tpu.memory_space<vmem>>
      %dma_start3A_867 = tpu.memref_squeeze %dma_start3A_866 : memref<1x128x64xf32, #tpu.memory_space<vmem>> -> memref<128x64xf32, #tpu.memory_space<vmem>>
      %dma_start3A_868 = arith.constant 0 : i32
      %dma_start3A_869 = tpu.memref_slice %arg5[%add3A_862, %dma_start3A_868] : memref<200x128xi32, #tpu.memory_space<vmem>> -> memref<1x128xi32, #tpu.memory_space<vmem>>
      %dma_start3A_870 = tpu.memref_squeeze %dma_start3A_869 : memref<1x128xi32, #tpu.memory_space<vmem>> -> memref<128xi32, #tpu.memory_space<vmem>>
      %dma_start3A_871 = arith.constant 0 : i32
      %dma_start3A_872 = arith.constant 0 : i32
      %dma_start3A_873 = tpu.memref_slice %arg2[%dma_start3A_871, %dma_start3A_872] : memref<1000000x64xf32, #tpu.memory_space<hbm>> -> memref<1000000x64xf32, #tpu.memory_space<hbm>>
      tpu.enqueue_indirect_dma source(%dma_start3A_873 : memref<1000000x64xf32, #tpu.memory_space<hbm>>) target(%dma_start3A_867 : memref<128x64xf32, #tpu.memory_space<vmem>>) offsets(%dma_start3A_870 : memref<128xi32, #tpu.memory_space<vmem>>) semaphore(%arg8 : memref<!tpu.dma_semaphore, #tpu.memory_space<semaphore_mem>>)
      %dma_wait3A_874 = arith.constant 2 : i32
      %dma_wait3A_875 = arith.constant 0 : i32
      %dma_wait3A_876 = arith.constant 0 : i32
      %dma_wait3A_877 = tpu.memref_slice %arg6[%dma_wait3A_874, %dma_wait3A_875, %dma_wait3A_876] : memref<3x512x64xf32, #tpu.memory_space<vmem>> -> memref<1x128x64xf32, #tpu.memory_space<vmem>>
      %dma_wait3A_878 = tpu.memref_squeeze %dma_wait3A_877 : memref<1x128x64xf32, #tpu.memory_space<vmem>> -> memref<128x64xf32, #tpu.memory_space<vmem>>
      %dma_wait3A_879 = arith.constant 0 : i32
      %dma_wait3A_880 = tpu.memref_slice %arg5[%add3A_667, %dma_wait3A_879] : memref<200x128xi32, #tpu.memory_space<vmem>> -> memref<1x128xi32, #tpu.memory_space<vmem>>
      %dma_wait3A_881 = tpu.memref_squeeze %dma_wait3A_880 : memref<1x128xi32, #tpu.memory_space<vmem>> -> memref<128xi32, #tpu.memory_space<vmem>>
      %dma_wait3A_882 = arith.constant 0 : i32
      %dma_wait3A_883 = arith.constant 0 : i32
      %dma_wait3A_884 = tpu.memref_slice %arg2[%dma_wait3A_882, %dma_wait3A_883] : memref<1000000x64xf32, #tpu.memory_space<hbm>> -> memref<1000000x64xf32, #tpu.memory_space<hbm>>
      tpu.wait_indirect_dma semaphore(%arg9 : memref<!tpu.dma_semaphore, #tpu.memory_space<semaphore_mem>>) src(%dma_wait3A_884 : memref<1000000x64xf32, #tpu.memory_space<hbm>>) dst(%dma_wait3A_878 : memref<128x64xf32, #tpu.memory_space<vmem>>)
      %dma_wait3A_885 = arith.constant 2 : i32
      %dma_wait3A_886 = arith.constant 128 : i32
      %dma_wait3A_887 = arith.constant 0 : i32
      %dma_wait3A_888 = tpu.memref_slice %arg6[%dma_wait3A_885, %dma_wait3A_886, %dma_wait3A_887] : memref<3x512x64xf32, #tpu.memory_space<vmem>> -> memref<1x128x64xf32, #tpu.memory_space<vmem>>
      %dma_wait3A_889 = tpu.memref_squeeze %dma_wait3A_888 : memref<1x128x64xf32, #tpu.memory_space<vmem>> -> memref<128x64xf32, #tpu.memory_space<vmem>>
      %dma_wait3A_890 = arith.constant 0 : i32
      %dma_wait3A_891 = tpu.memref_slice %arg5[%add3A_682, %dma_wait3A_890] : memref<200x128xi32, #tpu.memory_space<vmem>> -> memref<1x128xi32, #tpu.memory_space<vmem>>
      %dma_wait3A_892 = tpu.memref_squeeze %dma_wait3A_891 : memref<1x128xi32, #tpu.memory_space<vmem>> -> memref<128xi32, #tpu.memory_space<vmem>>
      %dma_wait3A_893 = arith.constant 0 : i32
      %dma_wait3A_894 = arith.constant 0 : i32
      %dma_wait3A_895 = tpu.memref_slice %arg2[%dma_wait3A_893, %dma_wait3A_894] : memref<1000000x64xf32, #tpu.memory_space<hbm>> -> memref<1000000x64xf32, #tpu.memory_space<hbm>>
      tpu.wait_indirect_dma semaphore(%arg9 : memref<!tpu.dma_semaphore, #tpu.memory_space<semaphore_mem>>) src(%dma_wait3A_895 : memref<1000000x64xf32, #tpu.memory_space<hbm>>) dst(%dma_wait3A_889 : memref<128x64xf32, #tpu.memory_space<vmem>>)
      %dma_wait3A_896 = arith.constant 2 : i32
      %dma_wait3A_897 = arith.constant 256 : i32
      %dma_wait3A_898 = arith.constant 0 : i32
      %dma_wait3A_899 = tpu.memref_slice %arg6[%dma_wait3A_896, %dma_wait3A_897, %dma_wait3A_898] : memref<3x512x64xf32, #tpu.memory_space<vmem>> -> memref<1x128x64xf32, #tpu.memory_space<vmem>>
      %dma_wait3A_900 = tpu.memref_squeeze %dma_wait3A_899 : memref<1x128x64xf32, #tpu.memory_space<vmem>> -> memref<128x64xf32, #tpu.memory_space<vmem>>
      %dma_wait3A_901 = arith.constant 0 : i32
      %dma_wait3A_902 = tpu.memref_slice %arg5[%add3A_697, %dma_wait3A_901] : memref<200x128xi32, #tpu.memory_space<vmem>> -> memref<1x128xi32, #tpu.memory_space<vmem>>
      %dma_wait3A_903 = tpu.memref_squeeze %dma_wait3A_902 : memref<1x128xi32, #tpu.memory_space<vmem>> -> memref<128xi32, #tpu.memory_space<vmem>>
      %dma_wait3A_904 = arith.constant 0 : i32
      %dma_wait3A_905 = arith.constant 0 : i32
      %dma_wait3A_906 = tpu.memref_slice %arg2[%dma_wait3A_904, %dma_wait3A_905] : memref<1000000x64xf32, #tpu.memory_space<hbm>> -> memref<1000000x64xf32, #tpu.memory_space<hbm>>
      tpu.wait_indirect_dma semaphore(%arg9 : memref<!tpu.dma_semaphore, #tpu.memory_space<semaphore_mem>>) src(%dma_wait3A_906 : memref<1000000x64xf32, #tpu.memory_space<hbm>>) dst(%dma_wait3A_900 : memref<128x64xf32, #tpu.memory_space<vmem>>)
      %dma_wait3A_907 = arith.constant 2 : i32
      %dma_wait3A_908 = arith.constant 384 : i32
      %dma_wait3A_909 = arith.constant 0 : i32
      %dma_wait3A_910 = tpu.memref_slice %arg6[%dma_wait3A_907, %dma_wait3A_908, %dma_wait3A_909] : memref<3x512x64xf32, #tpu.memory_space<vmem>> -> memref<1x128x64xf32, #tpu.memory_space<vmem>>
      %dma_wait3A_911 = tpu.memref_squeeze %dma_wait3A_910 : memref<1x128x64xf32, #tpu.memory_space<vmem>> -> memref<128x64xf32, #tpu.memory_space<vmem>>
      %dma_wait3A_912 = arith.constant 0 : i32
      %dma_wait3A_913 = tpu.memref_slice %arg5[%add3A_712, %dma_wait3A_912] : memref<200x128xi32, #tpu.memory_space<vmem>> -> memref<1x128xi32, #tpu.memory_space<vmem>>
      %dma_wait3A_914 = tpu.memref_squeeze %dma_wait3A_913 : memref<1x128xi32, #tpu.memory_space<vmem>> -> memref<128xi32, #tpu.memory_space<vmem>>
      %dma_wait3A_915 = arith.constant 0 : i32
      %dma_wait3A_916 = arith.constant 0 : i32
      %dma_wait3A_917 = tpu.memref_slice %arg2[%dma_wait3A_915, %dma_wait3A_916] : memref<1000000x64xf32, #tpu.memory_space<hbm>> -> memref<1000000x64xf32, #tpu.memory_space<hbm>>
      tpu.wait_indirect_dma semaphore(%arg9 : memref<!tpu.dma_semaphore, #tpu.memory_space<semaphore_mem>>) src(%dma_wait3A_917 : memref<1000000x64xf32, #tpu.memory_space<hbm>>) dst(%dma_wait3A_911 : memref<128x64xf32, #tpu.memory_space<vmem>>)
      %mul3A_918 = arith.constant 512 : i32
      %mul3A_919 = arith.muli %add3A_640, %mul3A_918 : i32
      %add3A_920 = arith.addi %mul3A_2, %mul3A_919 : i32
      %dma_start3A_921 = arith.constant 2 : i32
      %dma_start3A_922 = arith.constant 0 : i32
      %dma_start3A_923 = arith.constant 0 : i32
      %dma_start3A_924 = tpu.memref_slice %arg6[%dma_start3A_921, %dma_start3A_922, %dma_start3A_923] : memref<3x512x64xf32, #tpu.memory_space<vmem>> -> memref<1x512x64xf32, #tpu.memory_space<vmem>>
      %dma_start3A_925 = tpu.memref_squeeze %dma_start3A_924 : memref<1x512x64xf32, #tpu.memory_space<vmem>> -> memref<512x64xf32, #tpu.memory_space<vmem>>
      %dma_start3A_926 = arith.constant 0 : i32
      %dma_start3A_927 = tpu.memref_slice %arg4[%add3A_920, %dma_start3A_926] : memref<819200x128xf32, #tpu.memory_space<hbm>> -> memref<512x64xf32, #tpu.memory_space<hbm>>
      %dma_start3A_928 = arith.constant 0 : i32
      %dma_start3A_929 = tpu.memref_slice %arg4[%add3A_920, %dma_start3A_928] : memref<819200x128xf32, #tpu.memory_space<hbm>> -> memref<512x64xf32, #tpu.memory_space<hbm>>
      %dma_start3A_930 = arith.constant 0 : i32
      %dma_start3A_931 = arith.constant 0 : i32
      %dma_start3A_932 = tpu.memref_slice %arg6[%dma_start3A_921, %dma_start3A_930, %dma_start3A_931] : memref<3x512x64xf32, #tpu.memory_space<vmem>> -> memref<1x512x64xf32, #tpu.memory_space<vmem>>
      %dma_start3A_933 = tpu.memref_squeeze %dma_start3A_932 : memref<1x512x64xf32, #tpu.memory_space<vmem>> -> memref<512x64xf32, #tpu.memory_space<vmem>>
      tpu.enqueue_dma source(%dma_start3A_933 : memref<512x64xf32, #tpu.memory_space<vmem>>) target(%dma_start3A_929 : memref<512x64xf32, #tpu.memory_space<hbm>>) target_semaphore(%arg12 : memref<!tpu.dma_semaphore, #tpu.memory_space<semaphore_mem>>)
      %dma_wait3A_934 = arith.constant 0 : i32
      %dma_wait3A_935 = arith.constant 0 : i32
      %dma_wait3A_936 = arith.constant 0 : i32
      %dma_wait3A_937 = tpu.memref_slice %arg6[%dma_wait3A_934, %dma_wait3A_935, %dma_wait3A_936] : memref<3x512x64xf32, #tpu.memory_space<vmem>> -> memref<1x128x64xf32, #tpu.memory_space<vmem>>
      %dma_wait3A_938 = tpu.memref_squeeze %dma_wait3A_937 : memref<1x128x64xf32, #tpu.memory_space<vmem>> -> memref<128x64xf32, #tpu.memory_space<vmem>>
      %dma_wait3A_939 = arith.constant 0 : i32
      %dma_wait3A_940 = tpu.memref_slice %arg5[%add3A_742, %dma_wait3A_939] : memref<200x128xi32, #tpu.memory_space<vmem>> -> memref<1x128xi32, #tpu.memory_space<vmem>>
      %dma_wait3A_941 = tpu.memref_squeeze %dma_wait3A_940 : memref<1x128xi32, #tpu.memory_space<vmem>> -> memref<128xi32, #tpu.memory_space<vmem>>
      %dma_wait3A_942 = arith.constant 0 : i32
      %dma_wait3A_943 = arith.constant 0 : i32
      %dma_wait3A_944 = tpu.memref_slice %arg2[%dma_wait3A_942, %dma_wait3A_943] : memref<1000000x64xf32, #tpu.memory_space<hbm>> -> memref<1000000x64xf32, #tpu.memory_space<hbm>>
      tpu.wait_indirect_dma semaphore(%arg7 : memref<!tpu.dma_semaphore, #tpu.memory_space<semaphore_mem>>) src(%dma_wait3A_944 : memref<1000000x64xf32, #tpu.memory_space<hbm>>) dst(%dma_wait3A_938 : memref<128x64xf32, #tpu.memory_space<vmem>>)
      %dma_wait3A_945 = arith.constant 0 : i32
      %dma_wait3A_946 = arith.constant 128 : i32
      %dma_wait3A_947 = arith.constant 0 : i32
      %dma_wait3A_948 = tpu.memref_slice %arg6[%dma_wait3A_945, %dma_wait3A_946, %dma_wait3A_947] : memref<3x512x64xf32, #tpu.memory_space<vmem>> -> memref<1x128x64xf32, #tpu.memory_space<vmem>>
      %dma_wait3A_949 = tpu.memref_squeeze %dma_wait3A_948 : memref<1x128x64xf32, #tpu.memory_space<vmem>> -> memref<128x64xf32, #tpu.memory_space<vmem>>
      %dma_wait3A_950 = arith.constant 0 : i32
      %dma_wait3A_951 = tpu.memref_slice %arg5[%add3A_757, %dma_wait3A_950] : memref<200x128xi32, #tpu.memory_space<vmem>> -> memref<1x128xi32, #tpu.memory_space<vmem>>
      %dma_wait3A_952 = tpu.memref_squeeze %dma_wait3A_951 : memref<1x128xi32, #tpu.memory_space<vmem>> -> memref<128xi32, #tpu.memory_space<vmem>>
      %dma_wait3A_953 = arith.constant 0 : i32
      %dma_wait3A_954 = arith.constant 0 : i32
      %dma_wait3A_955 = tpu.memref_slice %arg2[%dma_wait3A_953, %dma_wait3A_954] : memref<1000000x64xf32, #tpu.memory_space<hbm>> -> memref<1000000x64xf32, #tpu.memory_space<hbm>>
      tpu.wait_indirect_dma semaphore(%arg7 : memref<!tpu.dma_semaphore, #tpu.memory_space<semaphore_mem>>) src(%dma_wait3A_955 : memref<1000000x64xf32, #tpu.memory_space<hbm>>) dst(%dma_wait3A_949 : memref<128x64xf32, #tpu.memory_space<vmem>>)
      %dma_wait3A_956 = arith.constant 0 : i32
      %dma_wait3A_957 = arith.constant 256 : i32
      %dma_wait3A_958 = arith.constant 0 : i32
      %dma_wait3A_959 = tpu.memref_slice %arg6[%dma_wait3A_956, %dma_wait3A_957, %dma_wait3A_958] : memref<3x512x64xf32, #tpu.memory_space<vmem>> -> memref<1x128x64xf32, #tpu.memory_space<vmem>>
      %dma_wait3A_960 = tpu.memref_squeeze %dma_wait3A_959 : memref<1x128x64xf32, #tpu.memory_space<vmem>> -> memref<128x64xf32, #tpu.memory_space<vmem>>
      %dma_wait3A_961 = arith.constant 0 : i32
      %dma_wait3A_962 = tpu.memref_slice %arg5[%add3A_772, %dma_wait3A_961] : memref<200x128xi32, #tpu.memory_space<vmem>> -> memref<1x128xi32, #tpu.memory_space<vmem>>
      %dma_wait3A_963 = tpu.memref_squeeze %dma_wait3A_962 : memref<1x128xi32, #tpu.memory_space<vmem>> -> memref<128xi32, #tpu.memory_space<vmem>>
      %dma_wait3A_964 = arith.constant 0 : i32
      %dma_wait3A_965 = arith.constant 0 : i32
      %dma_wait3A_966 = tpu.memref_slice %arg2[%dma_wait3A_964, %dma_wait3A_965] : memref<1000000x64xf32, #tpu.memory_space<hbm>> -> memref<1000000x64xf32, #tpu.memory_space<hbm>>
      tpu.wait_indirect_dma semaphore(%arg7 : memref<!tpu.dma_semaphore, #tpu.memory_space<semaphore_mem>>) src(%dma_wait3A_966 : memref<1000000x64xf32, #tpu.memory_space<hbm>>) dst(%dma_wait3A_960 : memref<128x64xf32, #tpu.memory_space<vmem>>)
      %dma_wait3A_967 = arith.constant 0 : i32
      %dma_wait3A_968 = arith.constant 384 : i32
      %dma_wait3A_969 = arith.constant 0 : i32
      %dma_wait3A_970 = tpu.memref_slice %arg6[%dma_wait3A_967, %dma_wait3A_968, %dma_wait3A_969] : memref<3x512x64xf32, #tpu.memory_space<vmem>> -> memref<1x128x64xf32, #tpu.memory_space<vmem>>
      %dma_wait3A_971 = tpu.memref_squeeze %dma_wait3A_970 : memref<1x128x64xf32, #tpu.memory_space<vmem>> -> memref<128x64xf32, #tpu.memory_space<vmem>>
      %dma_wait3A_972 = arith.constant 0 : i32
      %dma_wait3A_973 = tpu.memref_slice %arg5[%add3A_787, %dma_wait3A_972] : memref<200x128xi32, #tpu.memory_space<vmem>> -> memref<1x128xi32, #tpu.memory_space<vmem>>
      %dma_wait3A_974 = tpu.memref_squeeze %dma_wait3A_973 : memref<1x128xi32, #tpu.memory_space<vmem>> -> memref<128xi32, #tpu.memory_space<vmem>>
      %dma_wait3A_975 = arith.constant 0 : i32
      %dma_wait3A_976 = arith.constant 0 : i32
      %dma_wait3A_977 = tpu.memref_slice %arg2[%dma_wait3A_975, %dma_wait3A_976] : memref<1000000x64xf32, #tpu.memory_space<hbm>> -> memref<1000000x64xf32, #tpu.memory_space<hbm>>
      tpu.wait_indirect_dma semaphore(%arg7 : memref<!tpu.dma_semaphore, #tpu.memory_space<semaphore_mem>>) src(%dma_wait3A_977 : memref<1000000x64xf32, #tpu.memory_space<hbm>>) dst(%dma_wait3A_971 : memref<128x64xf32, #tpu.memory_space<vmem>>)
      %mul3A_978 = arith.constant 512 : i32
      %mul3A_979 = arith.muli %add3A_644, %mul3A_978 : i32
      %add3A_980 = arith.addi %mul3A_2, %mul3A_979 : i32
      %dma_start3A_981 = arith.constant 0 : i32
      %dma_start3A_982 = arith.constant 0 : i32
      %dma_start3A_983 = arith.constant 0 : i32
      %dma_start3A_984 = tpu.memref_slice %arg6[%dma_start3A_981, %dma_start3A_982, %dma_start3A_983] : memref<3x512x64xf32, #tpu.memory_space<vmem>> -> memref<1x512x64xf32, #tpu.memory_space<vmem>>
      %dma_start3A_985 = tpu.memref_squeeze %dma_start3A_984 : memref<1x512x64xf32, #tpu.memory_space<vmem>> -> memref<512x64xf32, #tpu.memory_space<vmem>>
      %dma_start3A_986 = arith.constant 0 : i32
      %dma_start3A_987 = tpu.memref_slice %arg4[%add3A_980, %dma_start3A_986] : memref<819200x128xf32, #tpu.memory_space<hbm>> -> memref<512x64xf32, #tpu.memory_space<hbm>>
      %dma_start3A_988 = arith.constant 0 : i32
      %dma_start3A_989 = tpu.memref_slice %arg4[%add3A_980, %dma_start3A_988] : memref<819200x128xf32, #tpu.memory_space<hbm>> -> memref<512x64xf32, #tpu.memory_space<hbm>>
      %dma_start3A_990 = arith.constant 0 : i32
      %dma_start3A_991 = arith.constant 0 : i32
      %dma_start3A_992 = tpu.memref_slice %arg6[%dma_start3A_981, %dma_start3A_990, %dma_start3A_991] : memref<3x512x64xf32, #tpu.memory_space<vmem>> -> memref<1x512x64xf32, #tpu.memory_space<vmem>>
      %dma_start3A_993 = tpu.memref_squeeze %dma_start3A_992 : memref<1x512x64xf32, #tpu.memory_space<vmem>> -> memref<512x64xf32, #tpu.memory_space<vmem>>
      tpu.enqueue_dma source(%dma_start3A_993 : memref<512x64xf32, #tpu.memory_space<vmem>>) target(%dma_start3A_989 : memref<512x64xf32, #tpu.memory_space<hbm>>) target_semaphore(%arg10 : memref<!tpu.dma_semaphore, #tpu.memory_space<semaphore_mem>>)
      %dma_wait3A_994 = arith.constant 1 : i32
      %dma_wait3A_995 = arith.constant 0 : i32
      %dma_wait3A_996 = arith.constant 0 : i32
      %dma_wait3A_997 = tpu.memref_slice %arg6[%dma_wait3A_994, %dma_wait3A_995, %dma_wait3A_996] : memref<3x512x64xf32, #tpu.memory_space<vmem>> -> memref<1x128x64xf32, #tpu.memory_space<vmem>>
      %dma_wait3A_998 = tpu.memref_squeeze %dma_wait3A_997 : memref<1x128x64xf32, #tpu.memory_space<vmem>> -> memref<128x64xf32, #tpu.memory_space<vmem>>
      %dma_wait3A_999 = arith.constant 0 : i32
      %dma_wait3A_1000 = tpu.memref_slice %arg5[%add3A_817, %dma_wait3A_999] : memref<200x128xi32, #tpu.memory_space<vmem>> -> memref<1x128xi32, #tpu.memory_space<vmem>>
      %dma_wait3A_1001 = tpu.memref_squeeze %dma_wait3A_1000 : memref<1x128xi32, #tpu.memory_space<vmem>> -> memref<128xi32, #tpu.memory_space<vmem>>
      %dma_wait3A_1002 = arith.constant 0 : i32
      %dma_wait3A_1003 = arith.constant 0 : i32
      %dma_wait3A_1004 = tpu.memref_slice %arg2[%dma_wait3A_1002, %dma_wait3A_1003] : memref<1000000x64xf32, #tpu.memory_space<hbm>> -> memref<1000000x64xf32, #tpu.memory_space<hbm>>
      tpu.wait_indirect_dma semaphore(%arg8 : memref<!tpu.dma_semaphore, #tpu.memory_space<semaphore_mem>>) src(%dma_wait3A_1004 : memref<1000000x64xf32, #tpu.memory_space<hbm>>) dst(%dma_wait3A_998 : memref<128x64xf32, #tpu.memory_space<vmem>>)
      %dma_wait3A_1005 = arith.constant 1 : i32
      %dma_wait3A_1006 = arith.constant 128 : i32
      %dma_wait3A_1007 = arith.constant 0 : i32
      %dma_wait3A_1008 = tpu.memref_slice %arg6[%dma_wait3A_1005, %dma_wait3A_1006, %dma_wait3A_1007] : memref<3x512x64xf32, #tpu.memory_space<vmem>> -> memref<1x128x64xf32, #tpu.memory_space<vmem>>
      %dma_wait3A_1009 = tpu.memref_squeeze %dma_wait3A_1008 : memref<1x128x64xf32, #tpu.memory_space<vmem>> -> memref<128x64xf32, #tpu.memory_space<vmem>>
      %dma_wait3A_1010 = arith.constant 0 : i32
      %dma_wait3A_1011 = tpu.memref_slice %arg5[%add3A_832, %dma_wait3A_1010] : memref<200x128xi32, #tpu.memory_space<vmem>> -> memref<1x128xi32, #tpu.memory_space<vmem>>
      %dma_wait3A_1012 = tpu.memref_squeeze %dma_wait3A_1011 : memref<1x128xi32, #tpu.memory_space<vmem>> -> memref<128xi32, #tpu.memory_space<vmem>>
      %dma_wait3A_1013 = arith.constant 0 : i32
      %dma_wait3A_1014 = arith.constant 0 : i32
      %dma_wait3A_1015 = tpu.memref_slice %arg2[%dma_wait3A_1013, %dma_wait3A_1014] : memref<1000000x64xf32, #tpu.memory_space<hbm>> -> memref<1000000x64xf32, #tpu.memory_space<hbm>>
      tpu.wait_indirect_dma semaphore(%arg8 : memref<!tpu.dma_semaphore, #tpu.memory_space<semaphore_mem>>) src(%dma_wait3A_1015 : memref<1000000x64xf32, #tpu.memory_space<hbm>>) dst(%dma_wait3A_1009 : memref<128x64xf32, #tpu.memory_space<vmem>>)
      %dma_wait3A_1016 = arith.constant 1 : i32
      %dma_wait3A_1017 = arith.constant 256 : i32
      %dma_wait3A_1018 = arith.constant 0 : i32
      %dma_wait3A_1019 = tpu.memref_slice %arg6[%dma_wait3A_1016, %dma_wait3A_1017, %dma_wait3A_1018] : memref<3x512x64xf32, #tpu.memory_space<vmem>> -> memref<1x128x64xf32, #tpu.memory_space<vmem>>
      %dma_wait3A_1020 = tpu.memref_squeeze %dma_wait3A_1019 : memref<1x128x64xf32, #tpu.memory_space<vmem>> -> memref<128x64xf32, #tpu.memory_space<vmem>>
      %dma_wait3A_1021 = arith.constant 0 : i32
      %dma_wait3A_1022 = tpu.memref_slice %arg5[%add3A_847, %dma_wait3A_1021] : memref<200x128xi32, #tpu.memory_space<vmem>> -> memref<1x128xi32, #tpu.memory_space<vmem>>
      %dma_wait3A_1023 = tpu.memref_squeeze %dma_wait3A_1022 : memref<1x128xi32, #tpu.memory_space<vmem>> -> memref<128xi32, #tpu.memory_space<vmem>>
      %dma_wait3A_1024 = arith.constant 0 : i32
      %dma_wait3A_1025 = arith.constant 0 : i32
      %dma_wait3A_1026 = tpu.memref_slice %arg2[%dma_wait3A_1024, %dma_wait3A_1025] : memref<1000000x64xf32, #tpu.memory_space<hbm>> -> memref<1000000x64xf32, #tpu.memory_space<hbm>>
      tpu.wait_indirect_dma semaphore(%arg8 : memref<!tpu.dma_semaphore, #tpu.memory_space<semaphore_mem>>) src(%dma_wait3A_1026 : memref<1000000x64xf32, #tpu.memory_space<hbm>>) dst(%dma_wait3A_1020 : memref<128x64xf32, #tpu.memory_space<vmem>>)
      %dma_wait3A_1027 = arith.constant 1 : i32
      %dma_wait3A_1028 = arith.constant 384 : i32
      %dma_wait3A_1029 = arith.constant 0 : i32
      %dma_wait3A_1030 = tpu.memref_slice %arg6[%dma_wait3A_1027, %dma_wait3A_1028, %dma_wait3A_1029] : memref<3x512x64xf32, #tpu.memory_space<vmem>> -> memref<1x128x64xf32, #tpu.memory_space<vmem>>
      %dma_wait3A_1031 = tpu.memref_squeeze %dma_wait3A_1030 : memref<1x128x64xf32, #tpu.memory_space<vmem>> -> memref<128x64xf32, #tpu.memory_space<vmem>>
      %dma_wait3A_1032 = arith.constant 0 : i32
      %dma_wait3A_1033 = tpu.memref_slice %arg5[%add3A_862, %dma_wait3A_1032] : memref<200x128xi32, #tpu.memory_space<vmem>> -> memref<1x128xi32, #tpu.memory_space<vmem>>
      %dma_wait3A_1034 = tpu.memref_squeeze %dma_wait3A_1033 : memref<1x128xi32, #tpu.memory_space<vmem>> -> memref<128xi32, #tpu.memory_space<vmem>>
      %dma_wait3A_1035 = arith.constant 0 : i32
      %dma_wait3A_1036 = arith.constant 0 : i32
      %dma_wait3A_1037 = tpu.memref_slice %arg2[%dma_wait3A_1035, %dma_wait3A_1036] : memref<1000000x64xf32, #tpu.memory_space<hbm>> -> memref<1000000x64xf32, #tpu.memory_space<hbm>>
      tpu.wait_indirect_dma semaphore(%arg8 : memref<!tpu.dma_semaphore, #tpu.memory_space<semaphore_mem>>) src(%dma_wait3A_1037 : memref<1000000x64xf32, #tpu.memory_space<hbm>>) dst(%dma_wait3A_1031 : memref<128x64xf32, #tpu.memory_space<vmem>>)
      %mul3A_1038 = arith.constant 512 : i32
      %mul3A_1039 = arith.muli %add3A_648, %mul3A_1038 : i32
      %add3A_1040 = arith.addi %mul3A_2, %mul3A_1039 : i32
      %dma_start3A_1041 = arith.constant 1 : i32
      %dma_start3A_1042 = arith.constant 0 : i32
      %dma_start3A_1043 = arith.constant 0 : i32
      %dma_start3A_1044 = tpu.memref_slice %arg6[%dma_start3A_1041, %dma_start3A_1042, %dma_start3A_1043] : memref<3x512x64xf32, #tpu.memory_space<vmem>> -> memref<1x512x64xf32, #tpu.memory_space<vmem>>
      %dma_start3A_1045 = tpu.memref_squeeze %dma_start3A_1044 : memref<1x512x64xf32, #tpu.memory_space<vmem>> -> memref<512x64xf32, #tpu.memory_space<vmem>>
      %dma_start3A_1046 = arith.constant 0 : i32
      %dma_start3A_1047 = tpu.memref_slice %arg4[%add3A_1040, %dma_start3A_1046] : memref<819200x128xf32, #tpu.memory_space<hbm>> -> memref<512x64xf32, #tpu.memory_space<hbm>>
      %dma_start3A_1048 = arith.constant 0 : i32
      %dma_start3A_1049 = tpu.memref_slice %arg4[%add3A_1040, %dma_start3A_1048] : memref<819200x128xf32, #tpu.memory_space<hbm>> -> memref<512x64xf32, #tpu.memory_space<hbm>>
      %dma_start3A_1050 = arith.constant 0 : i32
      %dma_start3A_1051 = arith.constant 0 : i32
      %dma_start3A_1052 = tpu.memref_slice %arg6[%dma_start3A_1041, %dma_start3A_1050, %dma_start3A_1051] : memref<3x512x64xf32, #tpu.memory_space<vmem>> -> memref<1x512x64xf32, #tpu.memory_space<vmem>>
      %dma_start3A_1053 = tpu.memref_squeeze %dma_start3A_1052 : memref<1x512x64xf32, #tpu.memory_space<vmem>> -> memref<512x64xf32, #tpu.memory_space<vmem>>
      tpu.enqueue_dma source(%dma_start3A_1053 : memref<512x64xf32, #tpu.memory_space<vmem>>) target(%dma_start3A_1049 : memref<512x64xf32, #tpu.memory_space<hbm>>) target_semaphore(%arg11 : memref<!tpu.dma_semaphore, #tpu.memory_space<semaphore_mem>>)
    }
    %scan3A_590 = arith.constant 15 : i32
    %dma_wait3A_591 = arith.constant 2 : i32
    %dma_wait3A_592 = arith.constant 0 : i32
    %dma_wait3A_593 = arith.constant 0 : i32
    %dma_wait3A_594 = tpu.memref_slice %arg6[%dma_wait3A_591, %dma_wait3A_592, %dma_wait3A_593] : memref<3x512x64xf32, #tpu.memory_space<vmem>> -> memref<1x512x64xf32, #tpu.memory_space<vmem>>
    %dma_wait3A_595 = tpu.memref_squeeze %dma_wait3A_594 : memref<1x512x64xf32, #tpu.memory_space<vmem>> -> memref<512x64xf32, #tpu.memory_space<vmem>>
    %dma_wait3A_596 = arith.constant 0 : i32
    %dma_wait3A_597 = arith.constant 0 : i32
    %dma_wait3A_598 = tpu.memref_slice %arg2[%dma_wait3A_596, %dma_wait3A_597] : memref<1000000x64xf32, #tpu.memory_space<hbm>> -> memref<512x64xf32, #tpu.memory_space<hbm>>
    %dma_wait3A_599 = arith.constant 0 : i32
    %dma_wait3A_600 = arith.constant 0 : i32
    %dma_wait3A_601 = tpu.memref_slice %arg6[%dma_wait3A_591, %dma_wait3A_599, %dma_wait3A_600] : memref<3x512x64xf32, #tpu.memory_space<vmem>> -> memref<1x512x64xf32, #tpu.memory_space<vmem>>
    %dma_wait3A_602 = tpu.memref_squeeze %dma_wait3A_601 : memref<1x512x64xf32, #tpu.memory_space<vmem>> -> memref<512x64xf32, #tpu.memory_space<vmem>>
    %dma_wait3A_603 = arith.constant 0 : i32
    %dma_wait3A_604 = arith.constant 0 : i32
    %dma_wait3A_605 = tpu.memref_slice %arg2[%dma_wait3A_603, %dma_wait3A_604] : memref<1000000x64xf32, #tpu.memory_space<hbm>> -> memref<512x64xf32, #tpu.memory_space<hbm>>
    tpu.wait_dma2 semaphore(%arg12 : memref<!tpu.dma_semaphore, #tpu.memory_space<semaphore_mem>>) src(%dma_wait3A_605 : memref<512x64xf32, #tpu.memory_space<hbm>>) dst(%dma_wait3A_602 : memref<512x64xf32, #tpu.memory_space<vmem>>)
    %dma_wait3A_606 = arith.constant 0 : i32
    %dma_wait3A_607 = arith.constant 0 : i32
    %dma_wait3A_608 = arith.constant 0 : i32
    %dma_wait3A_609 = tpu.memref_slice %arg6[%dma_wait3A_606, %dma_wait3A_607, %dma_wait3A_608] : memref<3x512x64xf32, #tpu.memory_space<vmem>> -> memref<1x512x64xf32, #tpu.memory_space<vmem>>
    %dma_wait3A_610 = tpu.memref_squeeze %dma_wait3A_609 : memref<1x512x64xf32, #tpu.memory_space<vmem>> -> memref<512x64xf32, #tpu.memory_space<vmem>>
    %dma_wait3A_611 = arith.constant 0 : i32
    %dma_wait3A_612 = arith.constant 0 : i32
    %dma_wait3A_613 = tpu.memref_slice %arg2[%dma_wait3A_611, %dma_wait3A_612] : memref<1000000x64xf32, #tpu.memory_space<hbm>> -> memref<512x64xf32, #tpu.memory_space<hbm>>
    %dma_wait3A_614 = arith.constant 0 : i32
    %dma_wait3A_615 = arith.constant 0 : i32
    %dma_wait3A_616 = tpu.memref_slice %arg6[%dma_wait3A_606, %dma_wait3A_614, %dma_wait3A_615] : memref<3x512x64xf32, #tpu.memory_space<vmem>> -> memref<1x512x64xf32, #tpu.memory_space<vmem>>
    %dma_wait3A_617 = tpu.memref_squeeze %dma_wait3A_616 : memref<1x512x64xf32, #tpu.memory_space<vmem>> -> memref<512x64xf32, #tpu.memory_space<vmem>>
    %dma_wait3A_618 = arith.constant 0 : i32
    %dma_wait3A_619 = arith.constant 0 : i32
    %dma_wait3A_620 = tpu.memref_slice %arg2[%dma_wait3A_618, %dma_wait3A_619] : memref<1000000x64xf32, #tpu.memory_space<hbm>> -> memref<512x64xf32, #tpu.memory_space<hbm>>
    tpu.wait_dma2 semaphore(%arg10 : memref<!tpu.dma_semaphore, #tpu.memory_space<semaphore_mem>>) src(%dma_wait3A_620 : memref<512x64xf32, #tpu.memory_space<hbm>>) dst(%dma_wait3A_617 : memref<512x64xf32, #tpu.memory_space<vmem>>)
    %dma_wait3A_621 = arith.constant 1 : i32
    %dma_wait3A_622 = arith.constant 0 : i32
    %dma_wait3A_623 = arith.constant 0 : i32
    %dma_wait3A_624 = tpu.memref_slice %arg6[%dma_wait3A_621, %dma_wait3A_622, %dma_wait3A_623] : memref<3x512x64xf32, #tpu.memory_space<vmem>> -> memref<1x512x64xf32, #tpu.memory_space<vmem>>
    %dma_wait3A_625 = tpu.memref_squeeze %dma_wait3A_624 : memref<1x512x64xf32, #tpu.memory_space<vmem>> -> memref<512x64xf32, #tpu.memory_space<vmem>>
    %dma_wait3A_626 = arith.constant 0 : i32
    %dma_wait3A_627 = arith.constant 0 : i32
    %dma_wait3A_628 = tpu.memref_slice %arg2[%dma_wait3A_626, %dma_wait3A_627] : memref<1000000x64xf32, #tpu.memory_space<hbm>> -> memref<512x64xf32, #tpu.memory_space<hbm>>
    %dma_wait3A_629 = arith.constant 0 : i32
    %dma_wait3A_630 = arith.constant 0 : i32
    %dma_wait3A_631 = tpu.memref_slice %arg6[%dma_wait3A_621, %dma_wait3A_629, %dma_wait3A_630] : memref<3x512x64xf32, #tpu.memory_space<vmem>> -> memref<1x512x64xf32, #tpu.memory_space<vmem>>
    %dma_wait3A_632 = tpu.memref_squeeze %dma_wait3A_631 : memref<1x512x64xf32, #tpu.memory_space<vmem>> -> memref<512x64xf32, #tpu.memory_space<vmem>>
    %dma_wait3A_633 = arith.constant 0 : i32
    %dma_wait3A_634 = arith.constant 0 : i32
    %dma_wait3A_635 = tpu.memref_slice %arg2[%dma_wait3A_633, %dma_wait3A_634] : memref<1000000x64xf32, #tpu.memory_space<hbm>> -> memref<512x64xf32, #tpu.memory_space<hbm>>
    tpu.wait_dma2 semaphore(%arg11 : memref<!tpu.dma_semaphore, #tpu.memory_space<semaphore_mem>>) src(%dma_wait3A_635 : memref<512x64xf32, #tpu.memory_space<hbm>>) dst(%dma_wait3A_632 : memref<512x64xf32, #tpu.memory_space<vmem>>)
    return
  }
}

</mosaic_0001>

<sc_bundles>
// kernel: kernel.3.cloned.1.call-start
scs
__scs_entry_jumppad:
0x0: {  	(pc) =	sbr.rel $0x88, $3  }
0x1: {  	(tag) =	ssettag $0x0;
	lr =	simm.s32 $0x1  }
0x2: {  	[smem:$0x3F9F] =	sst lr;
	_ =	strace $0xD0000000  }
0x3: {  	_ = 	snop  }
0x4: {  	_ = 	snop  }
0x5: {  	_ = 	snop  }
0x6: {  	_ = 	snop  }
0x7: {  	_ = 	snop  }
__scs_overlays_trampoline_lowered:
0x8: {  	[smem:$0x3FAE] =	sst s0  }
0x9: {  	[smem:$0x3FAF] =	sst s1  }
0xa: {  	[smem:$0x3FB0] =	sst s2  }
0xb: {  	[smem:$0x3FB1] =	sst s3  }
0xc: {  	[smem:$0x3FB2] =	sst s4  }
0xd: {  	[smem:$0x3FB3] =	sst s5  }
0xe: {  	[smem:$0x3FB4] =	sst s6  }
0xf: {  	[smem:$0x3FB5] =	sst s7  }
0x10: {  	[smem:$0x3FB6] =	sst s8  }
0x11: {  	[smem:$0x3FB7] =	sst s9;
	s0 =	simm.s32 @!p0 $0x0  }
0x12: {  	s1 =	sld [smem:$0x3F9D];
	s0 =	simm.s32 @p0 $0x1  }
0x13: {  	[smem:$0x3FB8] =	sst s0;
	s0 =	simm.s32 @!p1 $0x0  }
0x14: {  	s2 =	sld [smem:$0x3F9C];
	s0 =	simm.s32 @p1 $0x1  }
0x15: {  	[smem:$0x3FB9] =	sst s0;
	s0 =	simm.s32 @!p2 $0x0  }
0x16: {  	s3 =	sld [smem:$0x3FDB];
	s0 =	simm.s32 @p2 $0x1  }
0x17: {  	s4 =	simm.s32 $0x1BF5;
	[smem:$0x3FBB] =	sst s0  }
0x18: {  	s0 =	sld [smem:$0x3F9E];
	_ =	swait.ge [sflag:s4], $0x0  }
0x19: {  	s7 =	sld [smem:$0x3F9F]  }
0x1a: {  	s8 =	sadd.s32 $0xFFFFE003, lr  }
0x1b: {  	s9 =	sadd.s32 $0xFFFFFEF7, lr;
	s5 =	simm.s32 $0xFFFFFFFF;
	p2 =	slt.u32 s8, $0xFFFFF086  }
0x1c: {  	p1 =	slt.u32 s9, $0xF7A;
	s5 =	simm.s32 @!p2 $0x0  }
0x1d: {  	s5 =	simm.s32 @p1 $0x1;
	p0 =	seq.s32 s7, s2  }
0x1e: {  	s7 =	smul.u32 @!p0 $0xF7A, s2;
	p2 =	seq.s32 @!p0 s5, $0x0  }
0x1f: {  	s9 =	smul.u32 $0xF7A, s1;
	s8 =	simm.s32 @!p0 $0x1BF5;
	p2 =	por !p2, p0  }
0x20: {  	[sflag:s8] =	ssyncset.s32 @!p0 $0xFFFFF086;
	s6 =	sadd.s32 @!p0 s3, s7;
	s7 =	simm.s32 @!p0 $0x108  }
0x21: {  	s3 =	sadd.s32 s3, s9;
	s6 =	sadd.s32 @!p0 $0x88, s6;
	s7 =	simm.s32 @p2 $0x1082  }
0x22: {  	[simem:s7], [sflag:s8] =	dma.local @!p0 [hbm:s6], $0xF7A  }
0x23: {  	s9 =	sor.u32 $0xD0000000, s2;
	s6 =	simm.s32 $0x108;
	_ =	swait.ge @!p0 [sflag:s8], $0x0  }
0x24: {  	s3 =	sadd.s32 $0x88, s3;
	s6 =	simm.s32 @!p1 $0x1082;
	[sflag:s4] =	ssyncset.s32 $0xFFFFF086  }
0x25: {  	[simem:s6], [sflag:s4] =	dma.local [hbm:s3], $0xF7A  }
0x26: {  	[smem:$0x3F9F] =	sst s1;
	(tag) =	ssettag s2;
	_ =	strace s9  }
0x27: {  	s1 =	sld [smem:$0x3FAF]  }
0x28: {  	s2 =	sld [smem:$0x3FB0]  }
0x29: {  	s4 =	sld [smem:$0x3FB2]  }
0x2a: {  	p0 =	seq.s32 s5, $0x0;
	s5 =	sld [smem:$0x3FB3]  }
0x2b: {  	s6 =	sld [smem:$0x3FB4]  }
0x2c: {  	s7 =	sld [smem:$0x3FB5]  }
0x2d: {  	s3 =	simm.s32 $0x108;
	s8 =	sld [smem:$0x3FB6]  }
0x2e: {  	s3 =	simm.s32 @!p0 $0x1082;
	s9 =	sld [smem:$0x3FB7]  }
0x2f: {  	lr =	sadd.s32 s0, s3;
	s0 =	sld [smem:$0x3FAE]  }
0x30: {  	s3 =	sld [smem:$0x3FB1]  }
0x31: {  	[smem:$0x3FBA] =	sst s10  }
0x32: {  	s10 =	sld [smem:$0x3FB8];
	_ =	sdelay $0x3  }
0x33: {  	p0 =	seq.s32 s10, $0x1;
	s10 =	sld [smem:$0x3FBA];
	_ =	sdelay $0x3  }
0x34: {  	[smem:$0x3FBA] =	sst s10  }
0x35: {  	s10 =	sld [smem:$0x3FB9];
	_ =	sdelay $0x3  }
0x36: {  	p1 =	seq.s32 s10, $0x1;
	s10 =	sld [smem:$0x3FBA];
	_ =	sdelay $0x3  }
0x37: {  	[smem:$0x3FBA] =	sst s10  }
0x38: {  	s10 =	sld [smem:$0x3FBB]  }
0x39: {  	_ = 	snop;
	(pc) =	sbr.ind lr, $3  }
0x3a: {  	_ = 	snop  }
0x3b: {  	_ = 	snop  }
0x3c: {  	p2 =	seq.s32 s10, $0x1;
	s10 =	sld [smem:$0x3FBA]  }
0x3d: {  	_ =	shalt  }
0x3e: {  	_ =	shalt  }
0x3f: {  	_ =	shalt  }
0x40: {  	_ =	shalt  }
0x41: {  	_ =	shalt  }
0x42: {  	_ =	shalt  }
0x43: {  	_ =	shalt  }
0x44: {  	_ =	shalt  }
0x45: {  	_ =	shalt  }
0x46: {  	_ =	shalt  }
0x47: {  	_ =	shalt  }
0x48: {  	_ =	shalt  }
0x49: {  	_ =	shalt  }
0x4a: {  	_ =	shalt  }
0x4b: {  	_ =	shalt  }
0x4c: {  	_ =	shalt  }
0x4d: {  	_ =	shalt  }
0x4e: {  	_ =	shalt  }
0x4f: {  	_ =	shalt  }
0x50: {  	_ =	shalt  }
0x51: {  	_ =	shalt  }
0x52: {  	_ =	shalt  }
0x53: {  	_ =	shalt  }
0x54: {  	_ =	shalt  }
0x55: {  	_ =	shalt  }
0x56: {  	_ =	shalt  }
0x57: {  	_ =	shalt  }
0x58: {  	_ =	shalt  }
0x59: {  	_ =	shalt  }
0x5a: {  	_ =	shalt  }
0x5b: {  	_ =	shalt  }
0x5c: {  	_ =	shalt  }
0x5d: {  	_ =	shalt  }
0x5e: {  	_ =	shalt  }
0x5f: {  	_ =	shalt  }
0x60: {  	_ =	shalt  }
0x61: {  	_ =	shalt  }
0x62: {  	_ =	shalt  }
0x63: {  	_ =	shalt  }
0x64: {  	_ =	shalt  }
0x65: {  	_ =	shalt  }
0x66: {  	_ =	shalt  }
0x67: {  	_ =	shalt  }
0x68: {  	_ =	shalt  }
0x69: {  	_ =	shalt  }
0x6a: {  	_ =	shalt  }
0x6b: {  	_ =	shalt  }
0x6c: {  	_ =	shalt  }
0x6d: {  	_ =	shalt  }
0x6e: {  	_ =	shalt  }
0x6f: {  	_ =	shalt  }
0x70: {  	_ =	shalt  }
0x71: {  	_ =	shalt  }
0x72: {  	_ =	shalt  }
0x73: {  	_ =	shalt  }
0x74: {  	_ =	shalt  }
0x75: {  	_ =	shalt  }
0x76: {  	_ =	shalt  }
0x77: {  	_ =	shalt  }
0x78: {  	_ =	shalt  }
0x79: {  	_ =	shalt  }
0x7a: {  	_ =	shalt  }
0x7b: {  	_ =	shalt  }
0x7c: {  	_ =	shalt  }
0x7d: {  	_ =	shalt  }
0x7e: {  	_ =	shalt  }
0x7f: {  	_ =	shalt  }
0x80: {  	_ =	shalt  }
0x81: {  	_ =	shalt  }
0x82: {  	_ =	shalt  }
0x83: {  	_ =	shalt  }
0x84: {  	_ =	shalt  }
0x85: {  	_ =	shalt  }
0x86: {  	_ =	shalt  }
0x87: {  	_ =	shalt  }
.Lfunc_end0:
.L_simem_size_0:
called_computation.1_lowered:
.L_overlay_start_0:
0x88: {  	s2 =	sld [smem:$0x3FD9]  }
0x89: {  	s3 =	sld [smem:$0x3FFE];
	_ =	sdelay $0x1  }
0x8a: {  	s1 =	srdreg.scid  }
0x8b: {  	s0 =	sand.u32 $0x1, s1  }
0x8c: {  	s17 =	sshll.u32 s0, $0xA;
	s2 =	sadd.s32 s3, s2  }
0x8d: {  	s2 =	sadd.s32 s2, s17  }
0x8e: {  	[smem:$0x3FC6] =	sst s2  }
0x8f: {  	_ = 	snop  }
0x90: {  	s2 =	sld [smem:$0x3FD0];
	(tm) =	ssettm $0x1  }
0x91: {  	s18 =	sld [smem:$0x3FFB];
	_ =	sdelay $0x3  }
0x92: {  	_ =	strace s18  }
0x93: {  	s3 =	sld [smem:$0x3FFC];
	_ =	sdelay $0x3  }
0x94: {  	_ =	strace s3  }
0x95: {  	s3 =	sld [smem:$0x3FFD];
	_ =	sdelay $0x3  }
0x96: {  	_ =	strace s3  }
0x97: {  	_ =	strace $0x8FFFFFFF  }
0x98: {  	s19 =	sld [smem:$0x3FDB];
	_ =	sdelay $0x1  }
0x99: {  	s4 =	simm.s32 $_scs_section_size  }
0x9a: {  	s5 =	simm.s32 $_size__tile_overlayer_lowered;
	s6 =	simm.s32 $_tile_overlayer_lowered  }
0x9b: {  	s22 =	simm.s32 $0x1BFF;
	s21 =	sshll.u32 s6, $0x1;
	s3 =	sadd.s32 s4, s19  }
0x9c: {  	s7 =	simm.s32 $0x0;
	s20 =	sshll.u32 s5, $0x1;
	s5 =	sadd.s32 s21, s3  }
0x9d: {  	[timem:s7], [sflag:s22] =	dma.local [hbm:s5], s20  }
0x9e: {  	_ =	swait.ge [sflag:s22], s20  }
0x9f: {  	s4 =	ssub.s32 $0x0, s20;
	[sflag:s22] =	ssyncset.done $0x0  }
0xa0: {  	[sflag:s22] =	ssyncadd.s32 s4;
	_ =	sdelay $0x1  }
0xa1: {  	s23 =	simm.s32 $0x1B8B  }
0xa2: {  	_ =	swait.ge [sflag:s23], $0x1  }
0xa3: {  	[sflag:s23] =	ssyncset.done $0x0  }
0xa4: {  	s25 =	simm.s32 $0x1B8E;
	s24 =	sld [smem:$0x3FFE];
	[sflag:s23] =	ssyncadd.s32 $0xFFFFFFFF  }
0xa5: {  	s26 =	simm.s32 $execute0_lowered;
	[smem:$0x3FD2] =	sst s25  }
0xa6: {  	s5 =	sshll.u32 s26, $0x1;
	_ =	strace $0x80000046;
	[dreg:$0x1] =	wrdreg $0xFFFFFFFF  }
0xa7: {  	s28 =	simm.s32 $_size_execute0_lowered;
	s3 =	sadd.s32 s3, s5;
	[dreg:$0x0] =	wrdreg $0x0  }
0xa8: {  	s5 =	sshll.u32 s28, $0x1;
	[dreg:$0x2] =	wrdreg s3  }
0xa9: {  	[dreg:$0x3] =	wrdreg s5  }
0xaa: {  	[dreg:$0x4] =	wrdreg $0xC0  }
0xab: {  	_ =	task [dreg:s7], $0x5FFFF  }
0xac: {  	[dreg:$0x1] =	wrdreg $0xFFFFFFFF  }
0xad: {  	[dreg:$0x0] =	wrdreg $0x60  }
0xae: {  	[dreg:$0x2] =	wrdreg s24  }
0xaf: {  	[dreg:$0x3] =	wrdreg s2  }
0xb0: {  	[dreg:$0x4] =	wrdreg $0x9  }
0xb1: {  	_ =	task.clear_ibuf [dreg:s7], $0x5FFFF;
	_ =	strace $0x90000046  }
0xb2: {  	s29 =	simm.s32 $0x9;
	_ =	strace $0x80000048  }
0xb3: {  	_ =	swait.ge [sflag:s29], $0x1  }
0xb4: {  	[sflag:s29] =	ssyncadd.s32 $0xFFFFFFFF  }
0xb5: {  	_ =	strace $0x90000048  }
0xb6: {  	_ =	sfence  }
0xb7: {  	s30 =	sld [smem:$0x0];
	_ =	sdelay $0x2  }
0xb8: {  	s31 =	sshll.u32 s1, $0xD;
	s1 =	sshrl.u32 s1, $0x2  }
0xb9: {  	s3 =	sand.u32 $0x4000, s31;
	s1 =	sadd.s32 s1, s30  }
0xba: {  	s0 =	sor.u32 s3, s0;
	s1 =	sshll.u32 s1, $0x11  }
0xbb: {  	s0 =	sor.u32 s1, s0  }
0xbc: {  	s0 =	sadd.s32 $0x8F2B, s0  }
0xbd: {  	[sflag:s0] =	ssyncadd.remote.s32 $0x1  }
0xbe: {  	_ =	sfence.sel $0xFFFF  }
0xbf: {  	[dreg:$0x0] =	wrdreg $0xFFFFFFFF;
	(pc) =	sbr.abs _section_cstart, $3  }
0xc0: {  	[dreg:$0x1] =	wrdreg $0xFFFFFFFF  }
0xc1: {  	_ =	task.clear_ibuf [dreg:s7], $0x2FFFF;
	_ =	strace $0x9FFFFFFF  }
0xc2: {  	(tm) =	ssettm $0x7FFFFFFF  }
0xc3: {  	_ =	shalt  }
tec
execute0_lowered:
.L_overlay_start_1:
0x0: {  	(tag) =	ssettag $0x1  }
0x1: {  	s0 =	rddreg [dreg:$0x0];
	s1 =	srdreg.scid  }
0x2: {  	s9 =	stileid.u32;
	s2 =	rddreg [dreg:$0x1];
	s5 =	simm.s32 $0x0  }
0x3: {  	s15 =	simm.s32 $0x80;
	s16 =	simm.s32 $0x6400;
	s17 =	simm.s32 $0x8400  }
0x4: {  	s28 =	simm.s32 $0x12400;
	s30 =	simm.s32 $0x14400;
	s31 =	simm.s32 $0x1  }
0x5: {  	s1 =	sand.u32 $0x1, s1;
	s3 =	sshll.u32 s9, $0x1;
	s19 =	smul.u32 $0x640000, s9  }
0x6: {  	s4 =	sor.u32 s1, s3;
	s6 =	ssub.s32 $0x2, s1;
	s1 =	smul.u32 $0x320000, s1  }
0x7: {  	s29 =	simm.s32 $0x1A400;
	[smem:$0x7FF] =	sst s5;
	s18 =	smul.u32 $0xC80, s4  }
0x8: {  	s5 =	simm.s32 $0x6;
	_ =	strace $0x80000047;
	s7 =	smul.u32 $0x64000, s4  }
0x9: {  	s3 =	sadd.s32 $0xF42E00, s0;
	s8 =	sshrl.u32 s6, $0x1;
	s4 =	smul.u32 $0x320000, s4  }
0xa: {  	s0 =	sadd.s32 $0xA00, s0;
	s6 =	ssub.s32 s6, s8;
	s1 =	sadd.s32 s1, s19  }
0xb: {  	s19 =	simm.s32 $0xA400;
	s7 =	sadd.s32 s0, s7;
	s4 =	sshrl.u32 s4, $0x3  }
0xc: {  	s2 =	sadd.s32 s2, s18;
	s23 =	smax.u32 s6, $0x1;
	s24 =	sadd.s32 $0x70000, s1  }
0xd: {  	s25 =	sadd.s32 $0x60000, s1;
	s1 =	sadd.s32 $0x50000, s1;
	[dreg:$0x4] =	wrdreg s2  }
0xe: {  	s18 =	simm.s32 $0x5;
	s6 =	simm.s32 $0x0;
	[dreg:$0x3] =	wrdreg s7  }
0xf: {  	s20 =	sadd.s32 $0x2000, s7;
	s21 =	sadd.s32 s0, s4;
	[dreg:$0x9] =	wrdreg s23  }
0x10: {  	s26 =	sshrl.u32 s25, $0x3;
	s1 =	sshrl.u32 s1, $0x3;
	s23 =	simm.s32 $0xE400  }
0x11: {  	s25 =	simm.s32 $0x10400;
	[dreg:$0x5] =	wrdreg s20;
	s4 =	sadd.s32 $0x4000, s21  }
0x12: {  	s22 =	sadd.s32 $0x6000, s21;
	s2 =	sadd.s32 $0x8000, s21;
	[dreg:$0x6] =	wrdreg s4  }
0x13: {  	s13 =	sadd.s32 s1, s0;
	s21 =	simm.s32 $0xC400;
	[dreg:$0x7] =	wrdreg s22  }
0x14: {  	s1 =	simm.s32 $0x40;
	s20 =	simm.s32 $0x16400;
	[dreg:$0x8] =	wrdreg s2  }
0x15: {  	s2 =	sshrl.u32 s24, $0x3;
	s24 =	simm.s32 $0x18400;
	s22 =	simm.s32 $0x1C400  }
0x16: {  	s4 =	sadd.s32 s2, s0;
	s2 =	sadd.s32 s26, s0;
	s0 =	simm.s32 $0x2  }
0x17: {  	s26 =	simm.s32 $0x4;
	[dreg:$0xa] =	wrdreg s2;
	s2 =	simm.s32 $0x3  }
.LBB2_1:
0x18: {  	s7 =	simm.s32 $0x0;
	s8 =	rddreg [dreg:$0x4];
	s14 =	simm.s32 $0x7  }
0x19: {  	[tilespmem:s7], [sflag:$0x7] =	stream.linear.gather [hbm4b:s8+s7], $0x6400, $0x38;
	[tilespmem:$0x1E400] =	vst v63  }
0x1a: {  	_ =	swait.ge [sflag:s14], $0x6400  }
0x1b: {  	[sflag:s14] =	ssyncset.done $0x0  }
0x1c: {  	[sflag:s14] =	ssyncadd.s32 $0xFFFF9C00  }
0x1d: {  	[tilespmem:s16], [sflag:$0x1] =	stream.indirect.gather [hbm4b:s3+s15], $0x40, s7, s15, $0xb8;
	[tilespmem:$0x1E400] =	vst v63  }
0x1e: {  	_ = 	snop  }
0x1f: {  	[tilespmem:s17], [sflag:$0x1] =	stream.indirect.gather [hbm4b:s3+s15], $0x40, s15, s15, $0xb8;
	[tilespmem:$0x1E400] =	vst v63  }
0x20: {  	s9 =	simm.s32 $0x100  }
0x21: {  	[tilespmem:s19], [sflag:$0x1] =	stream.indirect.gather [hbm4b:s3+s15], $0x40, s9, s15, $0xb8;
	[tilespmem:$0x1E400] =	vst v63  }
0x22: {  	s10 =	simm.s32 $0x180  }
0x23: {  	[tilespmem:s21], [sflag:$0x1] =	stream.indirect.gather [hbm4b:s3+s15], $0x40, s10, s15, $0xb8;
	[tilespmem:$0x1E400] =	vst v63  }
0x24: {  	s11 =	simm.s32 $0x200  }
0x25: {  	[tilespmem:s23], [sflag:$0x2] =	stream.indirect.gather [hbm4b:s3+s15], $0x40, s11, s15, $0xb8;
	[tilespmem:$0x1E400] =	vst v63  }
0x26: {  	s12 =	simm.s32 $0x280  }
0x27: {  	[tilespmem:s25], [sflag:$0x2] =	stream.indirect.gather [hbm4b:s3+s15], $0x40, s12, s15, $0xb8;
	[tilespmem:$0x1E400] =	vst v63  }
0x28: {  	s14 =	simm.s32 $0x300  }
0x29: {  	[tilespmem:s28], [sflag:$0x2] =	stream.indirect.gather [hbm4b:s3+s15], $0x40, s14, s15, $0xb8;
	[tilespmem:$0x1E400] =	vst v63  }
0x2a: {  	s8 =	simm.s32 $0x380  }
0x2b: {  	[tilespmem:s30], [sflag:$0x2] =	stream.indirect.gather [hbm4b:s3+s15], $0x40, s8, s15, $0xb8;
	[tilespmem:$0x1E400] =	vst v63  }
0x2c: {  	_ =	swait.ge [sflag:s31], $0x2000  }
0x2d: {  	[sflag:s31] =	ssyncset.done $0x0  }
0x2e: {  	[sflag:s31] =	ssyncadd.s32 $0xFFFFE000  }
0x2f: {  	_ =	swait.ge [sflag:s31], $0x2000  }
0x30: {  	[sflag:s31] =	ssyncset.done $0x0  }
0x31: {  	[sflag:s31] =	ssyncadd.s32 $0xFFFFE000  }
0x32: {  	_ =	swait.ge [sflag:s31], $0x2000  }
0x33: {  	[sflag:s31] =	ssyncset.done $0x0  }
0x34: {  	[sflag:s31] =	ssyncadd.s32 $0xFFFFE000  }
0x35: {  	_ =	swait.ge [sflag:s31], $0x2000  }
0x36: {  	[sflag:s31] =	ssyncset.done $0x0  }
0x37: {  	s9 =	rddreg [dreg:$0x3];
	[sflag:s31] =	ssyncadd.s32 $0xFFFFE000  }
0x38: {  	[hbm4b:s9+s1] =	stream.strided.scatter [tilespmem:s16], [sflag:$0x4], $0x8000, s15, s1, $0x38;
	[tilespmem:$0x1E400] =	vst v63  }
0x39: {  	_ =	swait.ge [sflag:s0], $0x2000  }
0x3a: {  	[sflag:s0] =	ssyncset.done $0x0  }
0x3b: {  	[sflag:s0] =	ssyncadd.s32 $0xFFFFE000  }
0x3c: {  	_ =	swait.ge [sflag:s0], $0x2000  }
0x3d: {  	[sflag:s0] =	ssyncset.done $0x0  }
0x3e: {  	[sflag:s0] =	ssyncadd.s32 $0xFFFFE000  }
0x3f: {  	_ =	swait.ge [sflag:s0], $0x2000  }
0x40: {  	[sflag:s0] =	ssyncset.done $0x0  }
0x41: {  	[sflag:s0] =	ssyncadd.s32 $0xFFFFE000  }
0x42: {  	_ =	swait.ge [sflag:s0], $0x2000  }
0x43: {  	[sflag:s0] =	ssyncset.done $0x0  }
0x44: {  	s10 =	rddreg [dreg:$0x5];
	[sflag:s0] =	ssyncadd.s32 $0xFFFFE000  }
0x45: {  	[hbm4b:s10+s1] =	stream.strided.scatter [tilespmem:s23], [sflag:$0x5], $0x8000, s15, s1, $0x38;
	[tilespmem:$0x1E400] =	vst v63  }
0x46: {  	s11 =	simm.s32 $0x400  }
0x47: {  	[tilespmem:s20], [sflag:$0x3] =	stream.indirect.gather [hbm4b:s3+s15], $0x40, s11, s15, $0xb8;
	[tilespmem:$0x1E400] =	vst v63  }
0x48: {  	s12 =	simm.s32 $0x480  }
0x49: {  	[tilespmem:s24], [sflag:$0x3] =	stream.indirect.gather [hbm4b:s3+s15], $0x40, s12, s15, $0xb8;
	[tilespmem:$0x1E400] =	vst v63  }
0x4a: {  	s14 =	simm.s32 $0x500  }
0x4b: {  	[tilespmem:s29], [sflag:$0x3] =	stream.indirect.gather [hbm4b:s3+s15], $0x40, s14, s15, $0xb8;
	[tilespmem:$0x1E400] =	vst v63  }
0x4c: {  	s8 =	simm.s32 $0x580  }
0x4d: {  	[tilespmem:s22], [sflag:$0x3] =	stream.indirect.gather [hbm4b:s3+s15], $0x40, s8, s15, $0xb8;
	[tilespmem:$0x1E400] =	vst v63  }
0x4e: {  	_ =	swait.ge [sflag:s26], $0x8000  }
0x4f: {  	[sflag:s26] =	ssyncset.done $0x0  }
0x50: {  	s9 =	simm.s32 $0x600;
	[sflag:s26] =	ssyncadd.s32 $0xFFFF8000  }
0x51: {  	[tilespmem:s16], [sflag:$0x1] =	stream.indirect.gather [hbm4b:s3+s15], $0x40, s9, s15, $0xb8;
	[tilespmem:$0x1E400] =	vst v63  }
0x52: {  	s10 =	simm.s32 $0x680  }
0x53: {  	[tilespmem:s17], [sflag:$0x1] =	stream.indirect.gather [hbm4b:s3+s15], $0x40, s10, s15, $0xb8;
	[tilespmem:$0x1E400] =	vst v63  }
0x54: {  	s11 =	simm.s32 $0x700  }
0x55: {  	[tilespmem:s19], [sflag:$0x1] =	stream.indirect.gather [hbm4b:s3+s15], $0x40, s11, s15, $0xb8;
	[tilespmem:$0x1E400] =	vst v63  }
0x56: {  	s12 =	simm.s32 $0x780  }
0x57: {  	[tilespmem:s21], [sflag:$0x1] =	stream.indirect.gather [hbm4b:s3+s15], $0x40, s12, s15, $0xb8;
	[tilespmem:$0x1E400] =	vst v63  }
0x58: {  	_ =	swait.ge [sflag:s18], $0x8000  }
0x59: {  	[sflag:s18] =	ssyncset.done $0x0  }
0x5a: {  	s14 =	simm.s32 $0x800;
	[sflag:s18] =	ssyncadd.s32 $0xFFFF8000  }
0x5b: {  	[tilespmem:s23], [sflag:$0x2] =	stream.indirect.gather [hbm4b:s3+s15], $0x40, s14, s15, $0xb8;
	[tilespmem:$0x1E400] =	vst v63  }
0x5c: {  	s8 =	simm.s32 $0x880  }
0x5d: {  	[tilespmem:s25], [sflag:$0x2] =	stream.indirect.gather [hbm4b:s3+s15], $0x40, s8, s15, $0xb8;
	[tilespmem:$0x1E400] =	vst v63  }
0x5e: {  	s9 =	simm.s32 $0x900  }
0x5f: {  	[tilespmem:s28], [sflag:$0x2] =	stream.indirect.gather [hbm4b:s3+s15], $0x40, s9, s15, $0xb8;
	[tilespmem:$0x1E400] =	vst v63  }
0x60: {  	s10 =	simm.s32 $0x980  }
0x61: {  	[tilespmem:s30], [sflag:$0x2] =	stream.indirect.gather [hbm4b:s3+s15], $0x40, s10, s15, $0xb8;
	[tilespmem:$0x1E400] =	vst v63  }
0x62: {  	_ =	swait.ge [sflag:s2], $0x2000  }
0x63: {  	[sflag:s2] =	ssyncset.done $0x0  }
0x64: {  	[sflag:s2] =	ssyncadd.s32 $0xFFFFE000  }
0x65: {  	_ =	swait.ge [sflag:s2], $0x2000  }
0x66: {  	[sflag:s2] =	ssyncset.done $0x0  }
0x67: {  	[sflag:s2] =	ssyncadd.s32 $0xFFFFE000  }
0x68: {  	_ =	swait.ge [sflag:s2], $0x2000  }
0x69: {  	[sflag:s2] =	ssyncset.done $0x0  }
0x6a: {  	[sflag:s2] =	ssyncadd.s32 $0xFFFFE000  }
0x6b: {  	_ =	swait.ge [sflag:s2], $0x2000  }
0x6c: {  	[sflag:s2] =	ssyncset.done $0x0  }
0x6d: {  	s11 =	rddreg [dreg:$0x6];
	[sflag:s2] =	ssyncadd.s32 $0xFFFFE000  }
0x6e: {  	[hbm4b:s11+s1] =	stream.strided.scatter [tilespmem:s20], [sflag:$0x6], $0x8000, s15, s1, $0x38;
	[tilespmem:$0x1E400] =	vst v63  }
0x6f: {  	_ =	swait.ge [sflag:s31], $0x2000  }
0x70: {  	[sflag:s31] =	ssyncset.done $0x0  }
0x71: {  	[sflag:s31] =	ssyncadd.s32 $0xFFFFE000  }
0x72: {  	_ =	swait.ge [sflag:s31], $0x2000  }
0x73: {  	[sflag:s31] =	ssyncset.done $0x0  }
0x74: {  	[sflag:s31] =	ssyncadd.s32 $0xFFFFE000  }
0x75: {  	_ =	swait.ge [sflag:s31], $0x2000  }
0x76: {  	[sflag:s31] =	ssyncset.done $0x0  }
0x77: {  	[sflag:s31] =	ssyncadd.s32 $0xFFFFE000  }
0x78: {  	_ =	swait.ge [sflag:s31], $0x2000  }
0x79: {  	[sflag:s31] =	ssyncset.done $0x0  }
0x7a: {  	s12 =	rddreg [dreg:$0x7];
	[sflag:s31] =	ssyncadd.s32 $0xFFFFE000  }
0x7b: {  	[hbm4b:s12+s1] =	stream.strided.scatter [tilespmem:s16], [sflag:$0x4], $0x8000, s15, s1, $0x38;
	[tilespmem:$0x1E400] =	vst v63  }
0x7c: {  	_ =	swait.ge [sflag:s0], $0x2000  }
0x7d: {  	[sflag:s0] =	ssyncset.done $0x0  }
0x7e: {  	[sflag:s0] =	ssyncadd.s32 $0xFFFFE000  }
0x7f: {  	_ =	swait.ge [sflag:s0], $0x2000  }
0x80: {  	[sflag:s0] =	ssyncset.done $0x0  }
0x81: {  	[sflag:s0] =	ssyncadd.s32 $0xFFFFE000  }
0x82: {  	_ =	swait.ge [sflag:s0], $0x2000  }
0x83: {  	[sflag:s0] =	ssyncset.done $0x0  }
0x84: {  	[sflag:s0] =	ssyncadd.s32 $0xFFFFE000  }
0x85: {  	_ =	swait.ge [sflag:s0], $0x2000  }
0x86: {  	[sflag:s0] =	ssyncset.done $0x0  }
0x87: {  	s14 =	rddreg [dreg:$0x8];
	[sflag:s0] =	ssyncadd.s32 $0xFFFFE000  }
0x88: {  	[hbm4b:s14+s1] =	stream.strided.scatter [tilespmem:s23], [sflag:$0x5], $0x8000, s15, s1, $0x38;
	[tilespmem:$0x1E400] =	vst v63  }
0x89: {  	_ =	swait.ge [sflag:s5], $0x8000  }
0x8a: {  	[sflag:s5] =	ssyncset.done $0x0  }
0x8b: {  	s8 =	simm.s32 $0xA00;
	[sflag:s5] =	ssyncadd.s32 $0xFFFF8000  }
0x8c: {  	[tilespmem:s20], [sflag:$0x3] =	stream.indirect.gather [hbm4b:s3+s15], $0x40, s8, s15, $0xb8;
	[tilespmem:$0x1E400] =	vst v63  }
0x8d: {  	s9 =	simm.s32 $0xA80  }
0x8e: {  	[tilespmem:s24], [sflag:$0x3] =	stream.indirect.gather [hbm4b:s3+s15], $0x40, s9, s15, $0xb8;
	[tilespmem:$0x1E400] =	vst v63  }
0x8f: {  	s10 =	simm.s32 $0xB00  }
0x90: {  	[tilespmem:s29], [sflag:$0x3] =	stream.indirect.gather [hbm4b:s3+s15], $0x40, s10, s15, $0xb8;
	[tilespmem:$0x1E400] =	vst v63  }
0x91: {  	s11 =	simm.s32 $0xB80  }
0x92: {  	[tilespmem:s22], [sflag:$0x3] =	stream.indirect.gather [hbm4b:s3+s15], $0x40, s11, s15, $0xb8;
	[tilespmem:$0x1E400] =	vst v63  }
0x93: {  	_ =	swait.ge [sflag:s26], $0x8000  }
0x94: {  	[sflag:s26] =	ssyncset.done $0x0  }
0x95: {  	s12 =	simm.s32 $0xC00;
	[sflag:s26] =	ssyncadd.s32 $0xFFFF8000  }
0x96: {  	[tilespmem:s16], [sflag:$0x1] =	stream.indirect.gather [hbm4b:s3+s15], $0x40, s12, s15, $0xb8;
	[tilespmem:$0x1E400] =	vst v63  }
0x97: {  	s14 =	simm.s32 $0xC80  }
0x98: {  	[tilespmem:s17], [sflag:$0x1] =	stream.indirect.gather [hbm4b:s3+s15], $0x40, s14, s15, $0xb8;
	[tilespmem:$0x1E400] =	vst v63  }
0x99: {  	s8 =	simm.s32 $0xD00  }
0x9a: {  	[tilespmem:s19], [sflag:$0x1] =	stream.indirect.gather [hbm4b:s3+s15], $0x40, s8, s15, $0xb8;
	[tilespmem:$0x1E400] =	vst v63  }
0x9b: {  	s9 =	simm.s32 $0xD80  }
0x9c: {  	[tilespmem:s21], [sflag:$0x1] =	stream.indirect.gather [hbm4b:s3+s15], $0x40, s9, s15, $0xb8;
	[tilespmem:$0x1E400] =	vst v63  }
0x9d: {  	_ =	swait.ge [sflag:s18], $0x8000  }
0x9e: {  	[sflag:s18] =	ssyncset.done $0x0  }
0x9f: {  	s10 =	simm.s32 $0xE00;
	[sflag:s18] =	ssyncadd.s32 $0xFFFF8000  }
0xa0: {  	[tilespmem:s23], [sflag:$0x2] =	stream.indirect.gather [hbm4b:s3+s15], $0x40, s10, s15, $0xb8;
	[tilespmem:$0x1E400] =	vst v63  }
0xa1: {  	s11 =	simm.s32 $0xE80  }
0xa2: {  	[tilespmem:s25], [sflag:$0x2] =	stream.indirect.gather [hbm4b:s3+s15], $0x40, s11, s15, $0xb8;
	[tilespmem:$0x1E400] =	vst v63  }
0xa3: {  	s12 =	simm.s32 $0xF00  }
0xa4: {  	[tilespmem:s28], [sflag:$0x2] =	stream.indirect.gather [hbm4b:s3+s15], $0x40, s12, s15, $0xb8;
	[tilespmem:$0x1E400] =	vst v63  }
0xa5: {  	s14 =	simm.s32 $0xF80  }
0xa6: {  	[tilespmem:s30], [sflag:$0x2] =	stream.indirect.gather [hbm4b:s3+s15], $0x40, s14, s15, $0xb8;
	[tilespmem:$0x1E400] =	vst v63  }
0xa7: {  	_ =	swait.ge [sflag:s2], $0x2000  }
0xa8: {  	[sflag:s2] =	ssyncset.done $0x0  }
0xa9: {  	[sflag:s2] =	ssyncadd.s32 $0xFFFFE000  }
0xaa: {  	_ =	swait.ge [sflag:s2], $0x2000  }
0xab: {  	[sflag:s2] =	ssyncset.done $0x0  }
0xac: {  	[sflag:s2] =	ssyncadd.s32 $0xFFFFE000  }
0xad: {  	_ =	swait.ge [sflag:s2], $0x2000  }
0xae: {  	[sflag:s2] =	ssyncset.done $0x0  }
0xaf: {  	[sflag:s2] =	ssyncadd.s32 $0xFFFFE000  }
0xb0: {  	_ =	swait.ge [sflag:s2], $0x2000  }
0xb1: {  	[sflag:s2] =	ssyncset.done $0x0  }
0xb2: {  	[sflag:s2] =	ssyncadd.s32 $0xFFFFE000  }
0xb3: {  	[hbm4b:s13+s1] =	stream.strided.scatter [tilespmem:s20], [sflag:$0x6], $0x8000, s15, s1, $0x38;
	[tilespmem:$0x1E400] =	vst v63  }
0xb4: {  	_ =	swait.ge [sflag:s31], $0x2000  }
0xb5: {  	[sflag:s31] =	ssyncset.done $0x0  }
0xb6: {  	[sflag:s31] =	ssyncadd.s32 $0xFFFFE000  }
0xb7: {  	_ =	swait.ge [sflag:s31], $0x2000  }
0xb8: {  	[sflag:s31] =	ssyncset.done $0x0  }
0xb9: {  	[sflag:s31] =	ssyncadd.s32 $0xFFFFE000  }
0xba: {  	_ =	swait.ge [sflag:s31], $0x2000  }
0xbb: {  	[sflag:s31] =	ssyncset.done $0x0  }
0xbc: {  	[sflag:s31] =	ssyncadd.s32 $0xFFFFE000  }
0xbd: {  	_ =	swait.ge [sflag:s31], $0x2000  }
0xbe: {  	[sflag:s31] =	ssyncset.done $0x0  }
0xbf: {  	s10 =	rddreg [dreg:$0xa];
	[sflag:s31] =	ssyncadd.s32 $0xFFFFE000  }
0xc0: {  	[hbm4b:s10+s1] =	stream.strided.scatter [tilespmem:s16], [sflag:$0x4], $0x8000, s15, s1, $0x38;
	[tilespmem:$0x1E400] =	vst v63  }
0xc1: {  	_ =	swait.ge [sflag:s0], $0x2000  }
0xc2: {  	[sflag:s0] =	ssyncset.done $0x0  }
0xc3: {  	[sflag:s0] =	ssyncadd.s32 $0xFFFFE000  }
0xc4: {  	_ =	swait.ge [sflag:s0], $0x2000  }
0xc5: {  	[sflag:s0] =	ssyncset.done $0x0  }
0xc6: {  	[sflag:s0] =	ssyncadd.s32 $0xFFFFE000  }
0xc7: {  	_ =	swait.ge [sflag:s0], $0x2000  }
0xc8: {  	[sflag:s0] =	ssyncset.done $0x0  }
0xc9: {  	[sflag:s0] =	ssyncadd.s32 $0xFFFFE000  }
0xca: {  	s7 =	simm.s32 $0x1800;
	_ =	swait.ge [sflag:s0], $0x2000  }
0xcb: {  	s8 =	sadd.s32 $0x6000, s13;
	s9 =	sadd.s32 $0x6000, s4;
	[sflag:s0] =	ssyncset.done $0x0  }
0xcc: {  	s11 =	smov.u32 s4;
	s10 =	sadd.s32 $0x6000, s10;
	[sflag:s0] =	ssyncadd.s32 $0xFFFFE000  }
.LBB2_2:
0xcd: {  	[hbm4b:s11+s1] =	stream.strided.scatter [tilespmem:s23], [sflag:$0x5], $0x8000, s15, s1, $0x38;
	[tilespmem:$0x1E400] =	vst v63  }
0xce: {  	s14 =	smov.u32 s7;
	s11 =	smov.u32 s9  }
0xcf: {  	p0 =	sne.s32 s7, $0x15000;
	s7 =	sadd.s32 $0x1800, s7;
	_ =	swait.ge [sflag:s5], $0x8000  }
0xd0: {  	s14 =	sshra.s32 s14, $0x2;
	[sflag:s5] =	ssyncset.done $0x0  }
0xd1: {  	s12 =	sadd.s32 $0xA00, s14;
	[sflag:s5] =	ssyncadd.s32 $0xFFFF8000  }
0xd2: {  	[tilespmem:s20], [sflag:$0x3] =	stream.indirect.gather [hbm4b:s3+s15], $0x40, s12, s15, $0xb8;
	[tilespmem:$0x1E400] =	vst v63  }
0xd3: {  	s12 =	sadd.s32 $0xA80, s14  }
0xd4: {  	[tilespmem:s24], [sflag:$0x3] =	stream.indirect.gather [hbm4b:s3+s15], $0x40, s12, s15, $0xb8;
	[tilespmem:$0x1E400] =	vst v63  }
0xd5: {  	s12 =	sadd.s32 $0xB00, s14  }
0xd6: {  	[tilespmem:s29], [sflag:$0x3] =	stream.indirect.gather [hbm4b:s3+s15], $0x40, s12, s15, $0xb8;
	[tilespmem:$0x1E400] =	vst v63  }
0xd7: {  	s12 =	sadd.s32 $0xB80, s14  }
0xd8: {  	[tilespmem:s22], [sflag:$0x3] =	stream.indirect.gather [hbm4b:s3+s15], $0x40, s12, s15, $0xb8;
	[tilespmem:$0x1E400] =	vst v63  }
0xd9: {  	_ =	swait.ge [sflag:s26], $0x8000  }
0xda: {  	[sflag:s26] =	ssyncset.done $0x0  }
0xdb: {  	s12 =	sadd.s32 $0xC00, s14;
	[sflag:s26] =	ssyncadd.s32 $0xFFFF8000  }
0xdc: {  	[tilespmem:s16], [sflag:$0x1] =	stream.indirect.gather [hbm4b:s3+s15], $0x40, s12, s15, $0xb8;
	[tilespmem:$0x1E400] =	vst v63  }
0xdd: {  	s12 =	sadd.s32 $0xC80, s14  }
0xde: {  	[tilespmem:s17], [sflag:$0x1] =	stream.indirect.gather [hbm4b:s3+s15], $0x40, s12, s15, $0xb8;
	[tilespmem:$0x1E400] =	vst v63  }
0xdf: {  	s12 =	sadd.s32 $0xD00, s14  }
0xe0: {  	[tilespmem:s19], [sflag:$0x1] =	stream.indirect.gather [hbm4b:s3+s15], $0x40, s12, s15, $0xb8;
	[tilespmem:$0x1E400] =	vst v63  }
0xe1: {  	s12 =	sadd.s32 $0xD80, s14  }
0xe2: {  	[tilespmem:s21], [sflag:$0x1] =	stream.indirect.gather [hbm4b:s3+s15], $0x40, s12, s15, $0xb8;
	[tilespmem:$0x1E400] =	vst v63  }
0xe3: {  	_ =	swait.ge [sflag:s18], $0x8000  }
0xe4: {  	[sflag:s18] =	ssyncset.done $0x0  }
0xe5: {  	s12 =	sadd.s32 $0xE00, s14;
	[sflag:s18] =	ssyncadd.s32 $0xFFFF8000  }
0xe6: {  	[tilespmem:s23], [sflag:$0x2] =	stream.indirect.gather [hbm4b:s3+s15], $0x40, s12, s15, $0xb8;
	[tilespmem:$0x1E400] =	vst v63  }
0xe7: {  	s12 =	sadd.s32 $0xE80, s14  }
0xe8: {  	[tilespmem:s25], [sflag:$0x2] =	stream.indirect.gather [hbm4b:s3+s15], $0x40, s12, s15, $0xb8;
	[tilespmem:$0x1E400] =	vst v63  }
0xe9: {  	s12 =	sadd.s32 $0xF00, s14  }
0xea: {  	[tilespmem:s28], [sflag:$0x2] =	stream.indirect.gather [hbm4b:s3+s15], $0x40, s12, s15, $0xb8;
	[tilespmem:$0x1E400] =	vst v63  }
0xeb: {  	s12 =	sadd.s32 $0xF80, s14  }
0xec: {  	[tilespmem:s30], [sflag:$0x2] =	stream.indirect.gather [hbm4b:s3+s15], $0x40, s12, s15, $0xb8;
	[tilespmem:$0x1E400] =	vst v63  }
0xed: {  	_ =	swait.ge [sflag:s2], $0x2000  }
0xee: {  	[sflag:s2] =	ssyncset.done $0x0  }
0xef: {  	[sflag:s2] =	ssyncadd.s32 $0xFFFFE000  }
0xf0: {  	_ =	swait.ge [sflag:s2], $0x2000  }
0xf1: {  	[sflag:s2] =	ssyncset.done $0x0  }
0xf2: {  	[sflag:s2] =	ssyncadd.s32 $0xFFFFE000  }
0xf3: {  	_ =	swait.ge [sflag:s2], $0x2000  }
0xf4: {  	[sflag:s2] =	ssyncset.done $0x0  }
0xf5: {  	[sflag:s2] =	ssyncadd.s32 $0xFFFFE000  }
0xf6: {  	_ =	swait.ge [sflag:s2], $0x2000  }
0xf7: {  	[sflag:s2] =	ssyncset.done $0x0  }
0xf8: {  	[sflag:s2] =	ssyncadd.s32 $0xFFFFE000  }
0xf9: {  	[hbm4b:s8+s1] =	stream.strided.scatter [tilespmem:s20], [sflag:$0x6], $0x8000, s15, s1, $0x38;
	[tilespmem:$0x1E400] =	vst v63  }
0xfa: {  	_ =	swait.ge [sflag:s31], $0x2000  }
0xfb: {  	[sflag:s31] =	ssyncset.done $0x0  }
0xfc: {  	[sflag:s31] =	ssyncadd.s32 $0xFFFFE000  }
0xfd: {  	_ =	swait.ge [sflag:s31], $0x2000  }
0xfe: {  	[sflag:s31] =	ssyncset.done $0x0  }
0xff: {  	[sflag:s31] =	ssyncadd.s32 $0xFFFFE000  }
0x100: {  	_ =	swait.ge [sflag:s31], $0x2000  }
0x101: {  	[sflag:s31] =	ssyncset.done $0x0  }
0x102: {  	[sflag:s31] =	ssyncadd.s32 $0xFFFFE000  }
0x103: {  	_ =	swait.ge [sflag:s31], $0x2000  }
0x104: {  	[sflag:s31] =	ssyncset.done $0x0  }
0x105: {  	[sflag:s31] =	ssyncadd.s32 $0xFFFFE000  }
0x106: {  	[hbm4b:s10+s1] =	stream.strided.scatter [tilespmem:s16], [sflag:$0x4], $0x8000, s15, s1, $0x38;
	[tilespmem:$0x1E400] =	vst v63  }
0x107: {  	_ =	swait.ge [sflag:s0], $0x2000  }
0x108: {  	[sflag:s0] =	ssyncset.done $0x0  }
0x109: {  	[sflag:s0] =	ssyncadd.s32 $0xFFFFE000  }
0x10a: {  	_ =	swait.ge [sflag:s0], $0x2000  }
0x10b: {  	[sflag:s0] =	ssyncset.done $0x0  }
0x10c: {  	[sflag:s0] =	ssyncadd.s32 $0xFFFFE000  }
0x10d: {  	_ =	swait.ge [sflag:s0], $0x2000  }
.Ltmp0:
0x10e: {  	[sflag:s0] =	ssyncset.done $0x0;
	(pc) =	sbr.rel @p0 .LBB2_2-.Ltmp0, $4  }
0x10f: {  	[sflag:s0] =	ssyncadd.s32 $0xFFFFE000  }
0x110: {  	_ =	swait.ge [sflag:s0], $0x2000  }
0x111: {  	s8 =	sadd.s32 $0x6000, s8;
	[sflag:s0] =	ssyncset.done $0x0  }
0x112: {  	s9 =	sadd.s32 $0x6000, s9;
	s10 =	sadd.s32 $0x6000, s10;
	[sflag:s0] =	ssyncadd.s32 $0xFFFFE000  }
0x113: {  	[hbm4b:s11+s1] =	stream.strided.scatter [tilespmem:s23], [sflag:$0x5], $0x8000, s15, s1, $0x38;
	[tilespmem:$0x1E400] =	vst v63  }
0x114: {  	_ =	swait.ge [sflag:s5], $0x8000  }
0x115: {  	[sflag:s5] =	ssyncset.done $0x0  }
0x116: {  	[sflag:s5] =	ssyncadd.s32 $0xFFFF8000  }
0x117: {  	_ =	swait.ge [sflag:s26], $0x8000  }
0x118: {  	[sflag:s26] =	ssyncset.done $0x0  }
0x119: {  	[sflag:s26] =	ssyncadd.s32 $0xFFFF8000  }
0x11a: {  	_ =	swait.ge [sflag:s18], $0x8000  }
0x11b: {  	s6 =	sadd.s32 $0x1, s6;
	s7 =	rddreg [dreg:$0x9]  }
0x11c: {  	p0 =	sne.s32 s6, s7  }
.Ltmp1:
0x11d: {  	_ = 	snop;
	(pc) =	sbr.rel @p0 .LBB2_1-.Ltmp1, $3  }
0x11e: {  	_ =	sdelay $0x1  }
0x11f: {  	[sflag:s18] =	ssyncset.done $0x0  }
0x120: {  	[sflag:s18] =	ssyncadd.s32 $0xFFFF8000  }
0x121: {  	_ =	sfence.sel $0x180000  }
0x122: {  	[bflag:$0x0] =	sbarrier.arrive $0xFFFF  }
0x123: {  	_ =	strace $0x90000047  }
0x124: {  	s0 =	stileid.u32;
	[bflag:$0x2] =	sbarrier.arrive $0xFFFF  }
0x125: {  	p0 =	sne.s32 s0, $0x0;
	s0 =	rddreg [dreg:$0x2]  }
0x126: {  	s0 =	sadd.s32 @!p0 $0x100000, s0  }
0x127: {  	[sflag:s0] =	ssyncadd.tile.s32 @!p0 $0x1;
	_ =	shalt  }
.Lfunc_end2:
_tile_overlayer_lowered:
.L_overlay_start_2:
0x128: {  	(tag) =	ssettag $0x2  }
0x129: {  	s0 =	rddreg [dreg:$0x0];
	s2 =	stileid.u32  }
0x12a: {  	s1 =	rddreg [dreg:$0x1];
	p0 =	sne.s32 s2, $0x0  }
0x12b: {  	s3 =	rddreg [dreg:$0x2];
	[bflag:$0x3] =	sbarrier.arrive $0xFFFF;
	s2 =	simm.s32 @!p0 $0x1C07  }
0x12c: {  	[timem:s3], [sflag:s2] =	dma.local @!p0 [hbm:s0], s1  }
0x12d: {  	s0 =	simm.s32 @!p0 $0x7  }
0x12e: {  	_ =	swait.ge @!p0 [sflag:s0], s1  }
0x12f: {  	s1 =	ssub.s32 @!p0 $0x0, s1;
	[sflag:s0] =	ssyncset.done @!p0 $0x0  }
0x130: {  	[sflag:s0] =	ssyncadd.s32 @!p0 s1  }
0x131: {  	[bflag:$0x3] =	sbarrier.arrive $0xFFFF  }
0x132: {  	_ =	shalt  }

// kernel: sparse-core-data-format-call.cloned.1.call-start
scs
called_computation_lowered:
.L_overlay_start_0:
0x0: {  	s2 =	sld [smem:$0x3FD9]  }
0x1: {  	s3 =	sld [smem:$0x3FFE];
	_ =	sdelay $0x1  }
0x2: {  	s1 =	srdreg.scid  }
0x3: {  	s0 =	sand.u32 $0x1, s1  }
0x4: {  	s18 =	sshll.u32 s0, $0xA;
	s2 =	sadd.s32 s3, s2  }
0x5: {  	s2 =	sadd.s32 s2, s18  }
0x6: {  	[smem:$0x3FC6] =	sst s2  }
0x7: {  	_ = 	snop  }
0x8: {  	s2 =	sld [smem:$0x3FD0];
	(tm) =	ssettm $0x1  }
0x9: {  	s19 =	sld [smem:$0x3FFB];
	_ =	sdelay $0x3  }
0xa: {  	_ =	strace s19  }
0xb: {  	s3 =	sld [smem:$0x3FFC];
	_ =	sdelay $0x3  }
0xc: {  	_ =	strace s3  }
0xd: {  	s3 =	sld [smem:$0x3FFD];
	_ =	sdelay $0x3  }
0xe: {  	_ =	strace s3  }
0xf: {  	_ =	strace $0x8FFFFFFF  }
0x10: {  	s20 =	sld [smem:$0x3FDB];
	_ =	sdelay $0x1  }
0x11: {  	s4 =	simm.s32 $_scs_section_size  }
0x12: {  	s5 =	simm.s32 $_size__tile_overlayer_lowered;
	s6 =	simm.s32 $_tile_overlayer_lowered  }
0x13: {  	s23 =	simm.s32 $0x1BFF;
	s22 =	sshll.u32 s6, $0x1;
	s3 =	sadd.s32 s4, s20  }
0x14: {  	s7 =	simm.s32 $0x0;
	s21 =	sshll.u32 s5, $0x1;
	s5 =	sadd.s32 s22, s3  }
0x15: {  	[timem:s7], [sflag:s23] =	dma.local [hbm:s5], s21  }
0x16: {  	_ =	swait.ge [sflag:s23], s21  }
0x17: {  	s4 =	ssub.s32 $0x0, s21;
	[sflag:s23] =	ssyncset.done $0x0  }
0x18: {  	[sflag:s23] =	ssyncadd.s32 s4;
	_ =	sdelay $0x1  }
0x19: {  	s24 =	simm.s32 $0x1B8B  }
0x1a: {  	_ =	swait.ge [sflag:s24], $0x1  }
0x1b: {  	[sflag:s24] =	ssyncset.done $0x0  }
0x1c: {  	s26 =	simm.s32 $0x1B8E;
	s25 =	sld [smem:$0x3FFE];
	[sflag:s24] =	ssyncadd.s32 $0xFFFFFFFF  }
0x1d: {  	s27 =	simm.s32 $execute0_lowered;
	[smem:$0x3FD2] =	sst s26  }
0x1e: {  	s5 =	sshll.u32 s27, $0x1;
	_ =	strace $0x80000049;
	[dreg:$0x1] =	wrdreg $0xFFFFFFFF  }
0x1f: {  	s28 =	simm.s32 $_size_execute0_lowered;
	s3 =	sadd.s32 s3, s5;
	[dreg:$0x0] =	wrdreg $0x0  }
0x20: {  	s5 =	sshll.u32 s28, $0x1;
	[dreg:$0x2] =	wrdreg s3  }
0x21: {  	[dreg:$0x3] =	wrdreg s5  }
0x22: {  	[dreg:$0x4] =	wrdreg $0xC0  }
0x23: {  	_ =	task [dreg:s7], $0x5FFFF  }
0x24: {  	[dreg:$0x1] =	wrdreg $0xFFFFFFFF  }
0x25: {  	[dreg:$0x0] =	wrdreg $0x60  }
0x26: {  	[dreg:$0x2] =	wrdreg s25  }
0x27: {  	[dreg:$0x3] =	wrdreg s2  }
0x28: {  	[dreg:$0x4] =	wrdreg $0x9  }
0x29: {  	_ =	task.clear_ibuf [dreg:s7], $0x5FFFF;
	_ =	strace $0x90000049  }
0x2a: {  	s29 =	simm.s32 $0x9;
	_ =	strace $0x8000004B  }
0x2b: {  	_ =	swait.ge [sflag:s29], $0x1  }
0x2c: {  	[sflag:s29] =	ssyncadd.s32 $0xFFFFFFFF  }
0x2d: {  	_ =	strace $0x9000004B  }
0x2e: {  	_ =	sfence  }
0x2f: {  	s30 =	sld [smem:$0x0];
	_ =	sdelay $0x2  }
0x30: {  	s31 =	sshll.u32 s1, $0xD;
	s1 =	sshrl.u32 s1, $0x2  }
0x31: {  	s3 =	sand.u32 $0x4000, s31;
	s1 =	sadd.s32 s1, s30  }
0x32: {  	s0 =	sor.u32 s3, s0;
	s1 =	sshll.u32 s1, $0x11  }
0x33: {  	s0 =	sor.u32 s1, s0  }
0x34: {  	s0 =	sadd.s32 $0x8F2B, s0  }
0x35: {  	[sflag:s0] =	ssyncadd.remote.s32 $0x1  }
0x36: {  	_ =	sfence.sel $0xFFFF  }
0x37: {  	[dreg:$0x0] =	wrdreg $0xFFFFFFFF;
	(pc) =	sbr.abs _section_cstart, $3  }
0x38: {  	[dreg:$0x1] =	wrdreg $0xFFFFFFFF  }
0x39: {  	_ =	task.clear_ibuf [dreg:s7], $0x2FFFF;
	_ =	strace $0x9FFFFFFF  }
0x3a: {  	(tm) =	ssettm $0x7FFFFFFF  }
0x3b: {  	_ =	shalt  }
tec
execute0_lowered:
.L_overlay_start_1:
0x0: {  	(tag) =	ssettag $0x1  }
0x1: {  	s0 =	srdreg.scid  }
0x2: {  	s1 =	sshll.u32 s0, $0x4  }
0x3: {  	s0 =	stileid.u32;
	s1 =	sand.u32 $0x10, s1  }
0x4: {  	s1 =	sor.u32 s0, s1  }
0x5: {  	s6 =	rddreg [dreg:$0x0];
	s4 =	simm.s32 $0x1;
	s2 =	sshll.u32 s1, $0x7  }
0x6: {  	s7 =	simm.s32 $0x2;
	s12 =	simm.s32 $0x0;
	s1 =	ssub.s32 $0x1000, s2  }
0x7: {  	s8 =	simm.s32 $0x8000;
	s13 =	simm.s32 $0x0;
	s3 =	sand.u32 $0xF80, s1  }
0x8: {  	s9 =	simm.s32 $0x0;
	s5 =	sshrl.u32 s1, $0xC;
	p0 =	sne.s32 s3, $0x0  }
.Ltmp0:
0x9: {  	s1 =	rddreg [dreg:$0x2];
	s4 =	simm.s32 @!p0 $0x0;
	(pc) =	sbr.rel .LBB1_1-.Ltmp0, $4  }
0xa: {  	s11 =	simm.s32 $0x0;
	s3 =	rddreg [dreg:$0x1];
	s5 =	sadd.s32 s4, s5  }
0xb: {  	_ =	strace $0x8000004A;
	s4 =	simm.s32 $0x1;
	s5 =	smul.u32 $0xC8, s5  }
0xc: {  	s6 =	sadd.s32 $0xA00, s6;
	s10 =	smov.u32 s2;
	[sflag:s4] =	ssyncpa.u1 $0x0  }
0xd: {  	p0 =	por $0x0, $0x0;
	[sflag:s7] =	ssyncpa.u1 $0x0;
	s7 =	sor.u32 $0x1, s5  }
.LBB1_4:
0xe: {  	s16 =	sshll.u32 s13, $0x3;
	s17 =	sand.u32 $0x78, s13  }
0xf: {  	s30 =	sand.u32 $0x7E00, s13;
	s12 =	sshll.u32 s12, $0xF;
	s16 =	sand.u32 $0xC00, s16  }
0x10: {  	[tilespmem:s15+$0x810 ss:$0x81] =	vst.msk $0xffff, v2;
	s31 =	sand.u32 $0x7, s13;
	s16 =	sor.u32 s17, s16;
	s17 =	sadd.s32 s3, s30  }
0x11: {  	[tilespmem:s15+$0x1020 ss:$0x81] =	vst.msk $0xffff, v0;
	s13 =	sshll.u32 s31, $0x12;
	s12 =	sadd.s32 s12, s17;
	s16 =	sshrl.u32 s16, $0x3  }
0x12: {  	[tilespmem:s15+$0x0 ss:$0x81] =	vst.msk $0xffff, v1;
	s13 =	sor.u32 $0x400, s13;
	s12 =	sadd.s32 s16, s12  }
0x13: {  	[hbm4b:s12+s13] =	stream.strided.scatter [tilespmem:s14], [sflag:$0x2], $0x2000, s8, s13, $0x20;
	[tilespmem:$0x8080] =	vst v63  }
.LBB1_5:
0x14: {  	s14 =	sadd.s32 $0x1, s9  }
0x15: {  	s12 =	sadd.s32 $0x1000, s10;
	s16 =	smov.u32 s10;
	p2 =	sgt.s32 s14, $0xC7  }
0x16: {  	s16 =	smov.u32 @p2 s12  }
0x17: {  	s14 =	simm.s32 @p2 $0x0;
	p2 =	sgt.s32 s16, $0xFFF  }
0x18: {  	s16 =	smov.u32 @p2 s2;
	p2 =	sne.s32 s11, s7  }
.Ltmp1:
0x19: {  	p1 =	slt.u32 s11, $0x2;
	(pc) =	sbr.rel @!p2 .LBB1_6-.Ltmp1, $4  }
0x1a: {  	s15 =	simm.s32 @!p1 $0x2  }
0x1b: {  	s13 =	smov.u32 s10;
	p0 =	por !p0, !p0;
	_ =	swait.ge @!p1 [sflag:s15], $0x2000  }
0x1c: {  	s12 =	smov.u32 s9;
	[sflag:s15] =	ssyncset.done @!p1 $0x0;
	s9 =	smov.u32 s14  }
0x1d: {  	s11 =	sadd.s32 $0x1, s11;
	[sflag:s15] =	ssyncadd.s32 @!p1 $0xFFFFE000;
	s10 =	smov.u32 s16  }
.LBB1_1:
0x1e: {  	p1 =	sge.u32 s11, s5  }
0x1f: {  	s14 =	sand.u32 @!p1 $0x1FFFFFF, s9  }
0x20: {  	s15 =	smulhi.u32 @!p1 $0x147AE15, s14;
	_ =	sdelay $0x1  }
0x21: {  	s15 =	smul.u32 @!p1 $0xC8, s15  }
0x22: {  	s16 =	sxor.u32 @!p1 $0xFFFFFFFF, s11;
	s17 =	smul.u32 @!p1 $0xC80, s10  }
0x23: {  	s31 =	sadd.s32 $0xFFFFFFFF, s11;
	s16 =	sshll.u32 @!p1 s16, $0xD;
	s14 =	ssub.s32 @!p1 s14, s15  }
0x24: {  	s15 =	sand.u32 @!p1 $0x2000, s16;
	s16 =	sadd.s32 @!p1 s6, s17;
	s14 =	sshll.u32 @!p1 s14, $0x4  }
0x25: {  	s17 =	simm.s32 @!p1 $0x6400;
	s14 =	sadd.s32 @!p1 s14, s16;
	s16 =	simm.s32 @!p1 $0x40  }
0x26: {  	[tilespmem:s15], [sflag:$0x1] =	stream.strided.gather @!p1 [hbm4b:s14+s16], $0x2000, s17, s16, $0x38;
	[tilespmem:$0x8080] =	vst v63  }
0x27: {  	p1 =	sge.u32 s31, s5  }
.Ltmp2:
0x28: {  	_ = 	snop;
	(pc) =	sbr.rel @p1 .LBB1_5-.Ltmp2, $1  }
0x29: {  	_ =	sdelay $0x3  }
0x2a: {  	s14 =	simm.s32 $0x1  }
0x2b: {  	_ =	swait.ge [sflag:s4], $0x2000;
	s14 =	simm.s32 @!p0 $0x0  }
0x2c: {  	[sflag:s4] =	ssyncset.done $0x0;
	s15 =	sshll.u32 s14, $0xD  }
0x2d: {  	[sflag:s4] =	ssyncadd.s32 $0xFFFFE000;
	s18 =	sor.u32 $0x20, s15  }
0x2e: {  	s14 =	smul.u32 $0x8100, s14;
	v3 =	vld [tilespmem:s18+$0x10]  }
0x2f: {  	s30 =	sand.u32 $0x1, s11;
	v2 =	vld [tilespmem:s18+$0xFFFFFFF0]  }
0x30: {  	s15 =	smul.u32 $0x8100, s30;
	s14 =	sshrl.u32 s14, $0x2;
	v0 =	vld [tilespmem:s18+$0x0]  }
0x31: {  	v1 =	vld [tilespmem:s18+$0xFFFFFFE0];
	s16 =	sor.u32 $0x4000, s14  }
0x32: {  	s31 =	sshrl.u32 s15, $0x2;
	s15 =	sadd.s32 $0x0, s16  }
0x33: {  	s17 =	simm.s32 $0x4;
	s18 =	sadd.s32 $0x40, s18;
	s14 =	sor.u32 $0x4000, s31;
	[tilespmem:s15+$0x1830 ss:$0x81] =	vst.msk $0xffff, v3  }
.LBB1_3:
0x34: {  	v3 =	vld [tilespmem:s18+$0x10];
	p1 =	sne.s32 s17, $0x1FC;
	[tilespmem:s15+$0x810 ss:$0x81] =	vst.msk $0xffff, v2;
	s19 =	smov.u32 s17;
	s17 =	sadd.s32 $0x4, s17  }
.Ltmp3:
0x35: {  	v2 =	vld [tilespmem:s18+$0xFFFFFFF0];
	[tilespmem:s15+$0x1020 ss:$0x81] =	vst.msk $0xffff, v0;
	(pc) =	sbr.rel @p1 .LBB1_3-.Ltmp3, $4  }
0x36: {  	v0 =	vld [tilespmem:s18+$0x0];
	[tilespmem:s15+$0x0 ss:$0x81] =	vst.msk $0xffff, v1  }
0x37: {  	s15 =	sshra.s32 s19, $0x2;
	v1 =	vld [tilespmem:s18+$0xFFFFFFE0]  }
0x38: {  	s15 =	sadd.s32 s15, s16  }
0x39: {  	s18 =	sadd.s32 $0x40, s18;
	[tilespmem:s15+$0x1830 ss:$0x81] =	vst.msk $0xffff, v3  }
.Ltmp4:
0x3a: {  	_ = 	snop;
	(pc) =	sbr.rel .LBB1_4-.Ltmp4, $1  }
0x3b: {  	_ =	sdelay $0x3  }
.LBB1_6:
0x3c: {  	_ =	sfence.sel $0x180000  }
0x3d: {  	s2 =	simm.s32 $0x1;
	[bflag:$0x0] =	sbarrier.arrive $0xFFFF  }
0x3e: {  	s31 =	simm.s32 $0x2;
	[sflag:s2] =	ssyncpa.u1 $0x1  }
0x3f: {  	[sflag:s31] =	ssyncpa.u1 $0x1  }
0x40: {  	p0 =	sne.s32 s0, $0x0;
	_ =	strace $0x9000004A  }
0x41: {  	s0 =	sadd.s32 @!p0 $0x100000, s1;
	[bflag:$0x2] =	sbarrier.arrive $0xFFFF  }
0x42: {  	[sflag:s0] =	ssyncadd.tile.s32 @!p0 $0x1;
	_ =	shalt  }
.Lfunc_end1:
_tile_overlayer_lowered:
.L_overlay_start_2:
0x43: {  	(tag) =	ssettag $0x2  }
0x44: {  	s0 =	rddreg [dreg:$0x0];
	s2 =	stileid.u32  }
0x45: {  	s1 =	rddreg [dreg:$0x1];
	p0 =	sne.s32 s2, $0x0  }
0x46: {  	s3 =	rddreg [dreg:$0x2];
	[bflag:$0x3] =	sbarrier.arrive $0xFFFF;
	s2 =	simm.s32 @!p0 $0x1C01  }
0x47: {  	[timem:s3], [sflag:s2] =	dma.local @!p0 [hbm:s0], s1  }
0x48: {  	s0 =	simm.s32 @!p0 $0x1  }
0x49: {  	_ =	swait.ge @!p0 [sflag:s0], s1  }
0x4a: {  	s1 =	ssub.s32 @!p0 $0x0, s1;
	[sflag:s0] =	ssyncset.done @!p0 $0x0  }
0x4b: {  	[sflag:s0] =	ssyncadd.s32 @!p0 s1  }
0x4c: {  	[bflag:$0x3] =	sbarrier.arrive $0xFFFF  }
0x4d: {  	_ =	shalt  }

</sc_bundles>
